<compile_context>
chip_gen: v7x
topology: tpu7x:2x2x1
jax: 0.10.2.dev20260603
libtpu: 0.0.44.dev20260713+nightly
codegen_flags: <defaults>
</compile_context>

<pallas_src>
import functools

import jax
import jax.numpy as jnp
from jax import lax
from jax.experimental import pallas as pl
from jax.experimental.pallas import tpu as pltpu
from jax.experimental.pallas import tpu_sc as plsc

_HUGE = 1e31
_EPS = 2.220446049250313e-16

_B, _A, _D = 1024, 200, 128
_AD = 3 * _D
_L = 16
_NC, _NS = 2, 16
_NW = _NC * _NS
_RPW = _B // _NW
_CH = 100
_NCH = _A // _CH
_AP = 208
_PF = 256


def _mlp_body(obs_ref, w1_ref, b1_ref, w2_ref, b2_ref, x2_ref):
    x = lax.dot_general(obs_ref[...], w1_ref[...], (((1,), (1,)), ((), ())),
                        preferred_element_type=jnp.float32)
    x = jnp.maximum(x + b1_ref[...], 0.0)
    x2 = lax.dot_general(x, w2_ref[...], (((1,), (1,)), ((), ())),
                         preferred_element_type=jnp.float32)
    x2_ref[...] = x2 + b2_ref[...]


_mlp_call = pl.pallas_call(
    _mlp_body,
    out_shape=jax.ShapeDtypeStruct((_B, _AD), jnp.float32),
)


def _score_body(x2_hbm, idx_hbm, rel_hbm, ent_hbm, tri_hbm, out_hbm,
                idx0, idx1, x2_0, x2_1, rows_v, spare_v, sc0, sc1,
                sem_g, sem_i0, sem_i1, sem_w0, sem_w1):
    wid = lax.axis_index("s") * _NC + lax.axis_index("c")
    iota = lax.iota(jnp.int32, _L)
    base = wid * _RPW
    tables = (rel_hbm, ent_hbm, tri_hbm)
    idx_slots = (idx0, idx1)
    x2_slots = (x2_0, x2_1)
    sc_slots = (sc0, sc1)
    sem_i = (sem_i0, sem_i1)
    sem_w = (sem_w0, sem_w1)

    def idx_cps(r, s):
        return (pltpu.make_async_copy(idx_hbm.at[r], idx_slots[s], sem_i[s]),
                pltpu.make_async_copy(x2_hbm.at[r], x2_slots[s], sem_i[s]))

    def g_cps(s, ts=(0, 1, 2)):
        def dst(t, j):
            if t == 0 and s == 1:
                return spare_v.at[pl.ds(j * _CH, _CH)]
            return rows_v.at[pl.ds((t * _NCH + j) * _CH, _CH)]
        return tuple(
            pltpu.make_async_copy(tables[t].at[idx_slots[s].at[t, j]],
                                  dst(t, j), sem_g)
            for t in ts for j in range(_NCH))

    def wb_cp(r, s):
        return pltpu.make_async_copy(sc_slots[s], out_hbm.at[r], sem_w[s])

    for cp in idx_cps(base, 0):
        cp.start()
    for cp in idx_cps(base, 0):
        cp.wait()
    for cp in g_cps(0, ts=(0,)):
        cp.start()
    for cp in idx_cps(base + 1, 1):
        cp.start()

    def pair_body(i, carry):
        not_first = i > 0
        not_last = i < _RPW // 2 - 1
        for s in range(2):
            r = base + 2 * i + s
            for cp in g_cps(s, ts=(1, 2)):
                cp.start()
            for cp in g_cps(s):
                cp.wait()
            x2c = [x2_slots[s][pl.ds(k * _L, _L)] for k in range(_AD // _L)]

            @pl.when(not_last)
            def _():
                for cp in idx_cps(r + 2, s):
                    cp.start()

            @pl.when(not_first)
            def _():
                wb_cp(r, s).wait()

            scr = sc_slots[s]
            lane0 = iota == 0
            zvec = jnp.zeros((_L,), jnp.int32)
            perms = [jnp.bitwise_and(iota + (1 << p), _L - 1)
                     for p in (3, 2, 1, 0)]

            t0_ref = spare_v if s == 1 else rows_v

            @plsc.parallel_loop(0, _A, unroll=2)
            def action_body(a):
                accs = [None, None, None, None]
                for t in range(3):
                    br = t0_ref if t == 0 else rows_v
                    boff = 0 if t == 0 else (t * _NCH) * _CH
                    for k in range(_D // _L):
                        v = br[boff + a, pl.ds(k * _L, _L)]
                        i2 = t * (_D // _L) + k
                        p = v * x2c[i2]
                        accs[i2 % 4] = (p if accs[i2 % 4] is None
                                        else accs[i2 % 4] + p)
                acc = (accs[0] + accs[1]) + (accs[2] + accs[3])
                for pv in perms:
                    acc = acc + lax.gather(
                        acc, pv[:, None],
                        lax.GatherDimensionNumbers(
                            offset_dims=(), collapsed_slice_dims=(0,),
                            start_index_map=(0,)),
                        slice_sizes=(1,),
                        mode=lax.GatherScatterMode.PROMISE_IN_BOUNDS)
                plsc.store_scatter(scr, [a + zvec], acc, mask=lane0)

            if s == 0:
                for cp in idx_cps(r + 1, 1):
                    cp.wait()
                for cp in g_cps(1, ts=(0,)):
                    cp.start()
            else:
                @pl.when(not_last)
                def _():
                    for cp in idx_cps(r + 2, 0):
                        cp.wait()
                    for cp in g_cps(0, ts=(0,)):
                        cp.start()

            wb_cp(r, s).start()
        return carry

    lax.fori_loop(0, _RPW // 2, pair_body, 0)
    wb_cp(base + _RPW - 2, 0).wait()
    wb_cp(base + _RPW - 1, 1).wait()


_score_call = functools.partial(
    pl.kernel,
    out_type=jax.ShapeDtypeStruct((_B, _PF), jnp.float32),
    mesh=plsc.VectorSubcoreMesh(core_axis_name="c", subcore_axis_name="s"),
    compiler_params=pltpu.CompilerParams(needs_layout_passes=False),
    scratch_types=[
        pltpu.VMEM((3, _NCH, _CH), jnp.int32),
        pltpu.VMEM((3, _NCH, _CH), jnp.int32),
        pltpu.VMEM((_AD,), jnp.float32),
        pltpu.VMEM((_AD,), jnp.float32),
        pltpu.VMEM((3 * _A, _D), jnp.float32),
        pltpu.VMEM((_A, _D), jnp.float32),
        pltpu.VMEM((_PF,), jnp.float32),
        pltpu.VMEM((_PF,), jnp.float32),
        pltpu.SemaphoreType.DMA,
        pltpu.SemaphoreType.DMA,
        pltpu.SemaphoreType.DMA,
        pltpu.SemaphoreType.DMA,
        pltpu.SemaphoreType.DMA,
    ],
)(_score_body)


def _smx_body(part_ref, mask_ref, p_ref, ent_ref):
    s = part_ref[:, :_A]
    s = s - (1.0 - mask_ref[...]) * _HUGE
    m = jnp.max(s, axis=1, keepdims=True)
    e = jnp.exp(s - m)
    z = jnp.sum(e, axis=1, keepdims=True)
    p = e / z
    p_ref[...] = p
    ent_ref[...] = jnp.sum(-p * jnp.log(p + _EPS), axis=1, keepdims=True)


_smx_call = pl.pallas_call(
    _smx_body,
    out_shape=(jax.ShapeDtypeStruct((_B, _A), jnp.float32),
               jax.ShapeDtypeStruct((_B, 1), jnp.float32)),
)


def kernel(obs, r_space, e_space, triple_id, action_mask,
           W1_w, W1_b, W2_w, W2_b, rel_table, ent_table, triple_table):
    x2 = _mlp_call(obs, W1_w, W1_b.reshape(1, _AD), W2_w, W2_b.reshape(1, _AD))
    idx = jnp.stack(
        [r_space.astype(jnp.int32), e_space.astype(jnp.int32),
         triple_id.astype(jnp.int32)], axis=1).reshape(_B, 3, _NCH, _CH)
    part = _score_call(x2, idx, rel_table, ent_table, triple_table)
    p, ent_col = _smx_call(part, action_mask)
    return (p, ent_col.reshape(_B))

# --- scband reference (transcript-rebuilt; emitter-appended) ---
"""Pipeline reference for scband-policy-network-44753559224740 (READ-ONLY COPY).

The authoritative reference and input builder live on the scoring server;
editing this copy changes nothing except your own understanding.
"""

import jax, jax.numpy as jnp
import numpy as np

HUGE_INT = 1e+31
EPSILON = float(np.finfo(float).eps)

B, A, D = 1024, 200, 128
AD = 3 * D
N_REL, N_ENT, N_TRI = 1000, 100000, 100000


def setup_inputs(seed: int = 0) -> dict:
    key = jax.random.key(seed)
    ks = jax.random.split(key, 12)
    inp = {
        "obs": jax.random.normal(ks[0], (B, D), dtype=jnp.float32),
        "r_space": jax.random.randint(ks[1], (B, A), 0, N_REL, dtype=jnp.int64) if jax.config.jax_enable_x64 else jax.random.randint(ks[1], (B, A), 0, N_REL).astype(jnp.int32),
        "e_space": jax.random.randint(ks[2], (B, A), 0, N_ENT).astype(jnp.int32),
        "triple_id": jax.random.randint(ks[3], (B, A), 0, N_TRI).astype(jnp.int32),
        "action_mask": jnp.ones((B, A), dtype=jnp.float32),
        "W1_w": jax.random.normal(ks[4], (AD, D), dtype=jnp.float32) * 0.05,
        "W1_b": jnp.zeros((AD,), dtype=jnp.float32),
        "W2_w": jax.random.normal(ks[5], (AD, AD), dtype=jnp.float32) * 0.05,
        "W2_b": jnp.zeros((AD,), dtype=jnp.float32),
        "rel_table": jax.random.normal(ks[6], (N_REL, D), dtype=jnp.float32) * 0.05,
        "ent_table": jax.random.normal(ks[7], (N_ENT, D), dtype=jnp.float32) * 0.05,
        "triple_table": jax.random.normal(ks[8], (N_TRI, D), dtype=jnp.float32) * 0.05,
    }
    return inp


def safe_log(x):
    return jnp.log(x + EPSILON)


def reference(obs, r_space, e_space, triple_id, action_mask, W1_w, W1_b, W2_w, W2_b, rel_table, ent_table, triple_table):
    # transit(): X2 = W2Dropout(W2(W1Dropout(relu(W1(X))))) ; dropout is identity in eval mode
    X = obs @ W1_w.T + W1_b
    X = jax.nn.relu(X)
    X2 = X @ W2_w.T + W2_b
    # get_action_embedding(): gather relation/entity/triple embeddings and concat
    relation_embedding = jnp.take(rel_table, r_space, axis=0)      # [B, A, D]
    entity_embedding = jnp.take(ent_table, e_space, axis=0)        # [B, A, D]
    triple_embedding = jnp.take(triple_table, triple_id, axis=0)   # [B, A, D]
    A_emb = jnp.concatenate([relation_embedding, entity_embedding, triple_embedding], axis=-1)  # [B, A, 3D]
    # policy_nn_fun(): masked softmax over action space + entropy
    scores = jnp.squeeze(A_emb @ X2[:, :, None], 2)                # [B, A]
    masked = scores - (1.0 - action_mask) * HUGE_INT
    action_dist = jax.nn.softmax(masked, axis=-1)
    ent = jnp.sum(-action_dist * safe_log(action_dist), axis=1)
    return (action_dist, ent)

if __name__ == "__main__":
    import jax
    _d = setup_inputs()
    print(jax.jit(kernel)(*tuple(_d.values())))

</pallas_src>

<mosaic_0001>
#map = affine_map<(d0, d1) -> (0, 0)>
#map1 = affine_map<(d0, d1) -> (0, 0, 0, 0)>
module attributes {stable_mosaic.version = 14 : i64} {
  func.func @_score_body(%arg0: i32, %arg1: i32, %arg2: memref<1024x384xf32, #tpu.memory_space<hbm>>, %arg3: memref<1024x3x2x100xi32, #tpu.memory_space<hbm>>, %arg4: memref<1000x128xf32, #tpu.memory_space<hbm>>, %arg5: memref<100000x128xf32, #tpu.memory_space<hbm>>, %arg6: memref<100000x128xf32, #tpu.memory_space<hbm>>, %arg7: memref<1024x256xf32, #tpu.memory_space<hbm>>, %arg8: memref<3x2x100xi32, #tpu.memory_space<vmem>>, %arg9: memref<3x2x100xi32, #tpu.memory_space<vmem>>, %arg10: memref<384xf32, #tpu.memory_space<vmem>>, %arg11: memref<384xf32, #tpu.memory_space<vmem>>, %arg12: memref<600x128xf32, #tpu.memory_space<vmem>>, %arg13: memref<200x128xf32, #tpu.memory_space<vmem>>, %arg14: memref<256xf32, #tpu.memory_space<vmem>>, %arg15: memref<256xf32, #tpu.memory_space<vmem>>, %arg16: memref<!tpu.dma_semaphore, #tpu.memory_space<semaphore_mem>>, %arg17: memref<!tpu.dma_semaphore, #tpu.memory_space<semaphore_mem>>, %arg18: memref<!tpu.dma_semaphore, #tpu.memory_space<semaphore_mem>>, %arg19: memref<!tpu.dma_semaphore, #tpu.memory_space<semaphore_mem>>, %arg20: memref<!tpu.dma_semaphore, #tpu.memory_space<semaphore_mem>>) attributes {dimension_semantics = [#tpu.dimension_semantics<core_parallel>, #tpu.dimension_semantics<subcore_parallel>], iteration_bounds = array<i64: 2, 16>, scalar_prefetch = 0 : i64, scratch_operands = 13 : i64, tpu.core_type = #tpu.core_type<sc_vector_subcore>, window_params = [{transform_indices = #map}, {transform_indices = #map1}, {transform_indices = #map}, {transform_indices = #map}, {transform_indices = #map}, {transform_indices = #map}]} {
    %mul3A = arith.constant 2 : i32
    %mul3A_0 = arith.muli %arg1, %mul3A : i32
    %add3A = arith.addi %mul3A_0, %arg0 : i32
    %iota3A = tpu.iota {dimensions = array<i32: 0>} : vector<16xi32>
    %mul3A_1 = arith.constant 32 : i32
    %mul3A_2 = arith.muli %add3A, %mul3A_1 : i32
    %dma_start3A = arith.constant 0 : i32
    %dma_start3A_3 = arith.constant 0 : i32
    %dma_start3A_4 = arith.constant 0 : i32
    %dma_start3A_5 = tpu.memref_slice %arg3[%mul3A_2, %dma_start3A, %dma_start3A_3, %dma_start3A_4] : memref<1024x3x2x100xi32, #tpu.memory_space<hbm>> -> memref<1x3x2x100xi32, #tpu.memory_space<hbm>>
    %dma_start3A_6 = tpu.memref_squeeze %dma_start3A_5 : memref<1x3x2x100xi32, #tpu.memory_space<hbm>> -> memref<3x2x100xi32, #tpu.memory_space<hbm>>
    %dma_start3A_7 = arith.constant 0 : i32
    %dma_start3A_8 = arith.constant 0 : i32
    %dma_start3A_9 = arith.constant 0 : i32
    %dma_start3A_10 = tpu.memref_slice %arg3[%mul3A_2, %dma_start3A_7, %dma_start3A_8, %dma_start3A_9] : memref<1024x3x2x100xi32, #tpu.memory_space<hbm>> -> memref<1x3x2x100xi32, #tpu.memory_space<hbm>>
    %dma_start3A_11 = tpu.memref_squeeze %dma_start3A_10 : memref<1x3x2x100xi32, #tpu.memory_space<hbm>> -> memref<3x2x100xi32, #tpu.memory_space<hbm>>
    tpu.enqueue_dma source(%dma_start3A_11 : memref<3x2x100xi32, #tpu.memory_space<hbm>>) target(%arg8 : memref<3x2x100xi32, #tpu.memory_space<vmem>>) target_semaphore(%arg17 : memref<!tpu.dma_semaphore, #tpu.memory_space<semaphore_mem>>)
    %dma_start3A_12 = arith.constant 0 : i32
    %dma_start3A_13 = tpu.memref_slice %arg2[%mul3A_2, %dma_start3A_12] : memref<1024x384xf32, #tpu.memory_space<hbm>> -> memref<1x384xf32, #tpu.memory_space<hbm>>
    %dma_start3A_14 = tpu.memref_squeeze %dma_start3A_13 : memref<1x384xf32, #tpu.memory_space<hbm>> -> memref<384xf32, #tpu.memory_space<hbm>>
    %dma_start3A_15 = arith.constant 0 : i32
    %dma_start3A_16 = tpu.memref_slice %arg2[%mul3A_2, %dma_start3A_15] : memref<1024x384xf32, #tpu.memory_space<hbm>> -> memref<1x384xf32, #tpu.memory_space<hbm>>
    %dma_start3A_17 = tpu.memref_squeeze %dma_start3A_16 : memref<1x384xf32, #tpu.memory_space<hbm>> -> memref<384xf32, #tpu.memory_space<hbm>>
    tpu.enqueue_dma source(%dma_start3A_17 : memref<384xf32, #tpu.memory_space<hbm>>) target(%arg10 : memref<384xf32, #tpu.memory_space<vmem>>) target_semaphore(%arg17 : memref<!tpu.dma_semaphore, #tpu.memory_space<semaphore_mem>>)
    %dma_wait3A = arith.constant 0 : i32
    %dma_wait3A_18 = arith.constant 0 : i32
    %dma_wait3A_19 = arith.constant 0 : i32
    %dma_wait3A_20 = tpu.memref_slice %arg3[%mul3A_2, %dma_wait3A, %dma_wait3A_18, %dma_wait3A_19] : memref<1024x3x2x100xi32, #tpu.memory_space<hbm>> -> memref<1x3x2x100xi32, #tpu.memory_space<hbm>>
    %dma_wait3A_21 = tpu.memref_squeeze %dma_wait3A_20 : memref<1x3x2x100xi32, #tpu.memory_space<hbm>> -> memref<3x2x100xi32, #tpu.memory_space<hbm>>
    %dma_wait3A_22 = arith.constant 0 : i32
    %dma_wait3A_23 = arith.constant 0 : i32
    %dma_wait3A_24 = arith.constant 0 : i32
    %dma_wait3A_25 = tpu.memref_slice %arg3[%mul3A_2, %dma_wait3A_22, %dma_wait3A_23, %dma_wait3A_24] : memref<1024x3x2x100xi32, #tpu.memory_space<hbm>> -> memref<1x3x2x100xi32, #tpu.memory_space<hbm>>
    %dma_wait3A_26 = tpu.memref_squeeze %dma_wait3A_25 : memref<1x3x2x100xi32, #tpu.memory_space<hbm>> -> memref<3x2x100xi32, #tpu.memory_space<hbm>>
    tpu.wait_dma2 semaphore(%arg17 : memref<!tpu.dma_semaphore, #tpu.memory_space<semaphore_mem>>) src(%dma_wait3A_26 : memref<3x2x100xi32, #tpu.memory_space<hbm>>) dst(%arg8 : memref<3x2x100xi32, #tpu.memory_space<vmem>>)
    %dma_wait3A_27 = arith.constant 0 : i32
    %dma_wait3A_28 = tpu.memref_slice %arg2[%mul3A_2, %dma_wait3A_27] : memref<1024x384xf32, #tpu.memory_space<hbm>> -> memref<1x384xf32, #tpu.memory_space<hbm>>
    %dma_wait3A_29 = tpu.memref_squeeze %dma_wait3A_28 : memref<1x384xf32, #tpu.memory_space<hbm>> -> memref<384xf32, #tpu.memory_space<hbm>>
    %dma_wait3A_30 = arith.constant 0 : i32
    %dma_wait3A_31 = tpu.memref_slice %arg2[%mul3A_2, %dma_wait3A_30] : memref<1024x384xf32, #tpu.memory_space<hbm>> -> memref<1x384xf32, #tpu.memory_space<hbm>>
    %dma_wait3A_32 = tpu.memref_squeeze %dma_wait3A_31 : memref<1x384xf32, #tpu.memory_space<hbm>> -> memref<384xf32, #tpu.memory_space<hbm>>
    tpu.wait_dma2 semaphore(%arg17 : memref<!tpu.dma_semaphore, #tpu.memory_space<semaphore_mem>>) src(%dma_wait3A_32 : memref<384xf32, #tpu.memory_space<hbm>>) dst(%arg10 : memref<384xf32, #tpu.memory_space<vmem>>)
    %dma_start3A_33 = arith.constant 0 : i32
    %dma_start3A_34 = arith.constant 0 : i32
    %dma_start3A_35 = arith.constant 0 : i32
    %dma_start3A_36 = arith.constant 0 : i32
    %dma_start3A_37 = tpu.memref_slice %arg12[%dma_start3A_35, %dma_start3A_36] : memref<600x128xf32, #tpu.memory_space<vmem>> -> memref<100x128xf32, #tpu.memory_space<vmem>>
    %dma_start3A_38 = arith.constant 0 : i32
    %dma_start3A_39 = tpu.memref_slice %arg8[%dma_start3A_33, %dma_start3A_34, %dma_start3A_38] : memref<3x2x100xi32, #tpu.memory_space<vmem>> -> memref<1x1x100xi32, #tpu.memory_space<vmem>>
    %dma_start3A_40 = tpu.memref_squeeze %dma_start3A_39 : memref<1x1x100xi32, #tpu.memory_space<vmem>> -> memref<100xi32, #tpu.memory_space<vmem>>
    %dma_start3A_41 = arith.constant 0 : i32
    %dma_start3A_42 = arith.constant 0 : i32
    %dma_start3A_43 = tpu.memref_slice %arg4[%dma_start3A_41, %dma_start3A_42] : memref<1000x128xf32, #tpu.memory_space<hbm>> -> memref<1000x128xf32, #tpu.memory_space<hbm>>
    tpu.enqueue_indirect_dma source(%dma_start3A_43 : memref<1000x128xf32, #tpu.memory_space<hbm>>) target(%dma_start3A_37 : memref<100x128xf32, #tpu.memory_space<vmem>>) offsets(%dma_start3A_40 : memref<100xi32, #tpu.memory_space<vmem>>) semaphore(%arg16 : memref<!tpu.dma_semaphore, #tpu.memory_space<semaphore_mem>>)
    %dma_start3A_44 = arith.constant 0 : i32
    %dma_start3A_45 = arith.constant 1 : i32
    %dma_start3A_46 = arith.constant 100 : i32
    %dma_start3A_47 = arith.constant 0 : i32
    %dma_start3A_48 = tpu.memref_slice %arg12[%dma_start3A_46, %dma_start3A_47] : memref<600x128xf32, #tpu.memory_space<vmem>> -> memref<100x128xf32, #tpu.memory_space<vmem>>
    %dma_start3A_49 = arith.constant 0 : i32
    %dma_start3A_50 = tpu.memref_slice %arg8[%dma_start3A_44, %dma_start3A_45, %dma_start3A_49] : memref<3x2x100xi32, #tpu.memory_space<vmem>> -> memref<1x1x100xi32, #tpu.memory_space<vmem>>
    %dma_start3A_51 = tpu.memref_squeeze %dma_start3A_50 : memref<1x1x100xi32, #tpu.memory_space<vmem>> -> memref<100xi32, #tpu.memory_space<vmem>>
    %dma_start3A_52 = arith.constant 0 : i32
    %dma_start3A_53 = arith.constant 0 : i32
    %dma_start3A_54 = tpu.memref_slice %arg4[%dma_start3A_52, %dma_start3A_53] : memref<1000x128xf32, #tpu.memory_space<hbm>> -> memref<1000x128xf32, #tpu.memory_space<hbm>>
    tpu.enqueue_indirect_dma source(%dma_start3A_54 : memref<1000x128xf32, #tpu.memory_space<hbm>>) target(%dma_start3A_48 : memref<100x128xf32, #tpu.memory_space<vmem>>) offsets(%dma_start3A_51 : memref<100xi32, #tpu.memory_space<vmem>>) semaphore(%arg16 : memref<!tpu.dma_semaphore, #tpu.memory_space<semaphore_mem>>)
    %add3A_55 = arith.constant 1 : i32
    %add3A_56 = arith.addi %mul3A_2, %add3A_55 : i32
    %dma_start3A_57 = arith.constant 0 : i32
    %dma_start3A_58 = arith.constant 0 : i32
    %dma_start3A_59 = arith.constant 0 : i32
    %dma_start3A_60 = tpu.memref_slice %arg3[%add3A_56, %dma_start3A_57, %dma_start3A_58, %dma_start3A_59] : memref<1024x3x2x100xi32, #tpu.memory_space<hbm>> -> memref<1x3x2x100xi32, #tpu.memory_space<hbm>>
    %dma_start3A_61 = tpu.memref_squeeze %dma_start3A_60 : memref<1x3x2x100xi32, #tpu.memory_space<hbm>> -> memref<3x2x100xi32, #tpu.memory_space<hbm>>
    %dma_start3A_62 = arith.constant 0 : i32
    %dma_start3A_63 = arith.constant 0 : i32
    %dma_start3A_64 = arith.constant 0 : i32
    %dma_start3A_65 = tpu.memref_slice %arg3[%add3A_56, %dma_start3A_62, %dma_start3A_63, %dma_start3A_64] : memref<1024x3x2x100xi32, #tpu.memory_space<hbm>> -> memref<1x3x2x100xi32, #tpu.memory_space<hbm>>
    %dma_start3A_66 = tpu.memref_squeeze %dma_start3A_65 : memref<1x3x2x100xi32, #tpu.memory_space<hbm>> -> memref<3x2x100xi32, #tpu.memory_space<hbm>>
    tpu.enqueue_dma source(%dma_start3A_66 : memref<3x2x100xi32, #tpu.memory_space<hbm>>) target(%arg9 : memref<3x2x100xi32, #tpu.memory_space<vmem>>) target_semaphore(%arg18 : memref<!tpu.dma_semaphore, #tpu.memory_space<semaphore_mem>>)
    %dma_start3A_67 = arith.constant 0 : i32
    %dma_start3A_68 = tpu.memref_slice %arg2[%add3A_56, %dma_start3A_67] : memref<1024x384xf32, #tpu.memory_space<hbm>> -> memref<1x384xf32, #tpu.memory_space<hbm>>
    %dma_start3A_69 = tpu.memref_squeeze %dma_start3A_68 : memref<1x384xf32, #tpu.memory_space<hbm>> -> memref<384xf32, #tpu.memory_space<hbm>>
    %dma_start3A_70 = arith.constant 0 : i32
    %dma_start3A_71 = tpu.memref_slice %arg2[%add3A_56, %dma_start3A_70] : memref<1024x384xf32, #tpu.memory_space<hbm>> -> memref<1x384xf32, #tpu.memory_space<hbm>>
    %dma_start3A_72 = tpu.memref_squeeze %dma_start3A_71 : memref<1x384xf32, #tpu.memory_space<hbm>> -> memref<384xf32, #tpu.memory_space<hbm>>
    tpu.enqueue_dma source(%dma_start3A_72 : memref<384xf32, #tpu.memory_space<hbm>>) target(%arg11 : memref<384xf32, #tpu.memory_space<vmem>>) target_semaphore(%arg18 : memref<!tpu.dma_semaphore, #tpu.memory_space<semaphore_mem>>)
    %scan3A = arith.constant 0 : i32
    %scan3A_73 = arith.constant 0 : i32
    %scan3A_74 = arith.constant 16 : i32
    %scan3A_75 = arith.addi %scan3A_73, %scan3A_74 : i32
    %scan3A_76 = arith.constant 1 : i32
    scf.for %scan3A_97 = %scan3A_73 to %scan3A_75 step %scan3A_76  : i32 {
      %gt3A = arith.constant 0 : i32
      %gt3A_98 = arith.cmpi sgt, %scan3A_97, %gt3A : i32
      %lt3A = arith.constant 15 : i32
      %lt3A_99 = arith.cmpi slt, %scan3A_97, %lt3A : i32
      %mul3A_100 = arith.constant 2 : i32
      %mul3A_101 = arith.muli %mul3A_100, %scan3A_97 : i32
      %add3A_102 = arith.addi %mul3A_2, %mul3A_101 : i32
      %add3A_103 = arith.constant 0 : i32
      %add3A_104 = arith.addi %add3A_102, %add3A_103 : i32
      %dma_start3A_105 = arith.constant 1 : i32
      %dma_start3A_106 = arith.constant 0 : i32
      %dma_start3A_107 = arith.constant 200 : i32
      %dma_start3A_108 = arith.constant 0 : i32
      %dma_start3A_109 = tpu.memref_slice %arg12[%dma_start3A_107, %dma_start3A_108] : memref<600x128xf32, #tpu.memory_space<vmem>> -> memref<100x128xf32, #tpu.memory_space<vmem>>
      %dma_start3A_110 = arith.constant 0 : i32
      %dma_start3A_111 = tpu.memref_slice %arg8[%dma_start3A_105, %dma_start3A_106, %dma_start3A_110] : memref<3x2x100xi32, #tpu.memory_space<vmem>> -> memref<1x1x100xi32, #tpu.memory_space<vmem>>
      %dma_start3A_112 = tpu.memref_squeeze %dma_start3A_111 : memref<1x1x100xi32, #tpu.memory_space<vmem>> -> memref<100xi32, #tpu.memory_space<vmem>>
      %dma_start3A_113 = arith.constant 0 : i32
      %dma_start3A_114 = arith.constant 0 : i32
      %dma_start3A_115 = tpu.memref_slice %arg5[%dma_start3A_113, %dma_start3A_114] : memref<100000x128xf32, #tpu.memory_space<hbm>> -> memref<100000x128xf32, #tpu.memory_space<hbm>>
      tpu.enqueue_indirect_dma source(%dma_start3A_115 : memref<100000x128xf32, #tpu.memory_space<hbm>>) target(%dma_start3A_109 : memref<100x128xf32, #tpu.memory_space<vmem>>) offsets(%dma_start3A_112 : memref<100xi32, #tpu.memory_space<vmem>>) semaphore(%arg16 : memref<!tpu.dma_semaphore, #tpu.memory_space<semaphore_mem>>)
      %dma_start3A_116 = arith.constant 1 : i32
      %dma_start3A_117 = arith.constant 1 : i32
      %dma_start3A_118 = arith.constant 300 : i32
      %dma_start3A_119 = arith.constant 0 : i32
      %dma_start3A_120 = tpu.memref_slice %arg12[%dma_start3A_118, %dma_start3A_119] : memref<600x128xf32, #tpu.memory_space<vmem>> -> memref<100x128xf32, #tpu.memory_space<vmem>>
      %dma_start3A_121 = arith.constant 0 : i32
      %dma_start3A_122 = tpu.memref_slice %arg8[%dma_start3A_116, %dma_start3A_117, %dma_start3A_121] : memref<3x2x100xi32, #tpu.memory_space<vmem>> -> memref<1x1x100xi32, #tpu.memory_space<vmem>>
      %dma_start3A_123 = tpu.memref_squeeze %dma_start3A_122 : memref<1x1x100xi32, #tpu.memory_space<vmem>> -> memref<100xi32, #tpu.memory_space<vmem>>
      %dma_start3A_124 = arith.constant 0 : i32
      %dma_start3A_125 = arith.constant 0 : i32
      %dma_start3A_126 = tpu.memref_slice %arg5[%dma_start3A_124, %dma_start3A_125] : memref<100000x128xf32, #tpu.memory_space<hbm>> -> memref<100000x128xf32, #tpu.memory_space<hbm>>
      tpu.enqueue_indirect_dma source(%dma_start3A_126 : memref<100000x128xf32, #tpu.memory_space<hbm>>) target(%dma_start3A_120 : memref<100x128xf32, #tpu.memory_space<vmem>>) offsets(%dma_start3A_123 : memref<100xi32, #tpu.memory_space<vmem>>) semaphore(%arg16 : memref<!tpu.dma_semaphore, #tpu.memory_space<semaphore_mem>>)
      %dma_start3A_127 = arith.constant 2 : i32
      %dma_start3A_128 = arith.constant 0 : i32
      %dma_start3A_129 = arith.constant 400 : i32
      %dma_start3A_130 = arith.constant 0 : i32
      %dma_start3A_131 = tpu.memref_slice %arg12[%dma_start3A_129, %dma_start3A_130] : memref<600x128xf32, #tpu.memory_space<vmem>> -> memref<100x128xf32, #tpu.memory_space<vmem>>
      %dma_start3A_132 = arith.constant 0 : i32
      %dma_start3A_133 = tpu.memref_slice %arg8[%dma_start3A_127, %dma_start3A_128, %dma_start3A_132] : memref<3x2x100xi32, #tpu.memory_space<vmem>> -> memref<1x1x100xi32, #tpu.memory_space<vmem>>
      %dma_start3A_134 = tpu.memref_squeeze %dma_start3A_133 : memref<1x1x100xi32, #tpu.memory_space<vmem>> -> memref<100xi32, #tpu.memory_space<vmem>>
      %dma_start3A_135 = arith.constant 0 : i32
      %dma_start3A_136 = arith.constant 0 : i32
      %dma_start3A_137 = tpu.memref_slice %arg6[%dma_start3A_135, %dma_start3A_136] : memref<100000x128xf32, #tpu.memory_space<hbm>> -> memref<100000x128xf32, #tpu.memory_space<hbm>>
      tpu.enqueue_indirect_dma source(%dma_start3A_137 : memref<100000x128xf32, #tpu.memory_space<hbm>>) target(%dma_start3A_131 : memref<100x128xf32, #tpu.memory_space<vmem>>) offsets(%dma_start3A_134 : memref<100xi32, #tpu.memory_space<vmem>>) semaphore(%arg16 : memref<!tpu.dma_semaphore, #tpu.memory_space<semaphore_mem>>)
      %dma_start3A_138 = arith.constant 2 : i32
      %dma_start3A_139 = arith.constant 1 : i32
      %dma_start3A_140 = arith.constant 500 : i32
      %dma_start3A_141 = arith.constant 0 : i32
      %dma_start3A_142 = tpu.memref_slice %arg12[%dma_start3A_140, %dma_start3A_141] : memref<600x128xf32, #tpu.memory_space<vmem>> -> memref<100x128xf32, #tpu.memory_space<vmem>>
      %dma_start3A_143 = arith.constant 0 : i32
      %dma_start3A_144 = tpu.memref_slice %arg8[%dma_start3A_138, %dma_start3A_139, %dma_start3A_143] : memref<3x2x100xi32, #tpu.memory_space<vmem>> -> memref<1x1x100xi32, #tpu.memory_space<vmem>>
      %dma_start3A_145 = tpu.memref_squeeze %dma_start3A_144 : memref<1x1x100xi32, #tpu.memory_space<vmem>> -> memref<100xi32, #tpu.memory_space<vmem>>
      %dma_start3A_146 = arith.constant 0 : i32
      %dma_start3A_147 = arith.constant 0 : i32
      %dma_start3A_148 = tpu.memref_slice %arg6[%dma_start3A_146, %dma_start3A_147] : memref<100000x128xf32, #tpu.memory_space<hbm>> -> memref<100000x128xf32, #tpu.memory_space<hbm>>
      tpu.enqueue_indirect_dma source(%dma_start3A_148 : memref<100000x128xf32, #tpu.memory_space<hbm>>) target(%dma_start3A_142 : memref<100x128xf32, #tpu.memory_space<vmem>>) offsets(%dma_start3A_145 : memref<100xi32, #tpu.memory_space<vmem>>) semaphore(%arg16 : memref<!tpu.dma_semaphore, #tpu.memory_space<semaphore_mem>>)
      %dma_wait3A_149 = arith.constant 0 : i32
      %dma_wait3A_150 = arith.constant 0 : i32
      %dma_wait3A_151 = arith.constant 0 : i32
      %dma_wait3A_152 = arith.constant 0 : i32
      %dma_wait3A_153 = tpu.memref_slice %arg12[%dma_wait3A_151, %dma_wait3A_152] : memref<600x128xf32, #tpu.memory_space<vmem>> -> memref<100x128xf32, #tpu.memory_space<vmem>>
      %dma_wait3A_154 = arith.constant 0 : i32
      %dma_wait3A_155 = tpu.memref_slice %arg8[%dma_wait3A_149, %dma_wait3A_150, %dma_wait3A_154] : memref<3x2x100xi32, #tpu.memory_space<vmem>> -> memref<1x1x100xi32, #tpu.memory_space<vmem>>
      %dma_wait3A_156 = tpu.memref_squeeze %dma_wait3A_155 : memref<1x1x100xi32, #tpu.memory_space<vmem>> -> memref<100xi32, #tpu.memory_space<vmem>>
      %dma_wait3A_157 = arith.constant 0 : i32
      %dma_wait3A_158 = arith.constant 0 : i32
      %dma_wait3A_159 = tpu.memref_slice %arg4[%dma_wait3A_157, %dma_wait3A_158] : memref<1000x128xf32, #tpu.memory_space<hbm>> -> memref<1000x128xf32, #tpu.memory_space<hbm>>
      tpu.wait_indirect_dma semaphore(%arg16 : memref<!tpu.dma_semaphore, #tpu.memory_space<semaphore_mem>>) src(%dma_wait3A_159 : memref<1000x128xf32, #tpu.memory_space<hbm>>) dst(%dma_wait3A_153 : memref<100x128xf32, #tpu.memory_space<vmem>>)
      %dma_wait3A_160 = arith.constant 0 : i32
      %dma_wait3A_161 = arith.constant 1 : i32
      %dma_wait3A_162 = arith.constant 100 : i32
      %dma_wait3A_163 = arith.constant 0 : i32
      %dma_wait3A_164 = tpu.memref_slice %arg12[%dma_wait3A_162, %dma_wait3A_163] : memref<600x128xf32, #tpu.memory_space<vmem>> -> memref<100x128xf32, #tpu.memory_space<vmem>>
      %dma_wait3A_165 = arith.constant 0 : i32
      %dma_wait3A_166 = tpu.memref_slice %arg8[%dma_wait3A_160, %dma_wait3A_161, %dma_wait3A_165] : memref<3x2x100xi32, #tpu.memory_space<vmem>> -> memref<1x1x100xi32, #tpu.memory_space<vmem>>
      %dma_wait3A_167 = tpu.memref_squeeze %dma_wait3A_166 : memref<1x1x100xi32, #tpu.memory_space<vmem>> -> memref<100xi32, #tpu.memory_space<vmem>>
      %dma_wait3A_168 = arith.constant 0 : i32
      %dma_wait3A_169 = arith.constant 0 : i32
      %dma_wait3A_170 = tpu.memref_slice %arg4[%dma_wait3A_168, %dma_wait3A_169] : memref<1000x128xf32, #tpu.memory_space<hbm>> -> memref<1000x128xf32, #tpu.memory_space<hbm>>
      tpu.wait_indirect_dma semaphore(%arg16 : memref<!tpu.dma_semaphore, #tpu.memory_space<semaphore_mem>>) src(%dma_wait3A_170 : memref<1000x128xf32, #tpu.memory_space<hbm>>) dst(%dma_wait3A_164 : memref<100x128xf32, #tpu.memory_space<vmem>>)
      %dma_wait3A_171 = arith.constant 1 : i32
      %dma_wait3A_172 = arith.constant 0 : i32
      %dma_wait3A_173 = arith.constant 200 : i32
      %dma_wait3A_174 = arith.constant 0 : i32
      %dma_wait3A_175 = tpu.memref_slice %arg12[%dma_wait3A_173, %dma_wait3A_174] : memref<600x128xf32, #tpu.memory_space<vmem>> -> memref<100x128xf32, #tpu.memory_space<vmem>>
      %dma_wait3A_176 = arith.constant 0 : i32
      %dma_wait3A_177 = tpu.memref_slice %arg8[%dma_wait3A_171, %dma_wait3A_172, %dma_wait3A_176] : memref<3x2x100xi32, #tpu.memory_space<vmem>> -> memref<1x1x100xi32, #tpu.memory_space<vmem>>
      %dma_wait3A_178 = tpu.memref_squeeze %dma_wait3A_177 : memref<1x1x100xi32, #tpu.memory_space<vmem>> -> memref<100xi32, #tpu.memory_space<vmem>>
      %dma_wait3A_179 = arith.constant 0 : i32
      %dma_wait3A_180 = arith.constant 0 : i32
      %dma_wait3A_181 = tpu.memref_slice %arg5[%dma_wait3A_179, %dma_wait3A_180] : memref<100000x128xf32, #tpu.memory_space<hbm>> -> memref<100000x128xf32, #tpu.memory_space<hbm>>
      tpu.wait_indirect_dma semaphore(%arg16 : memref<!tpu.dma_semaphore, #tpu.memory_space<semaphore_mem>>) src(%dma_wait3A_181 : memref<100000x128xf32, #tpu.memory_space<hbm>>) dst(%dma_wait3A_175 : memref<100x128xf32, #tpu.memory_space<vmem>>)
      %dma_wait3A_182 = arith.constant 1 : i32
      %dma_wait3A_183 = arith.constant 1 : i32
      %dma_wait3A_184 = arith.constant 300 : i32
      %dma_wait3A_185 = arith.constant 0 : i32
      %dma_wait3A_186 = tpu.memref_slice %arg12[%dma_wait3A_184, %dma_wait3A_185] : memref<600x128xf32, #tpu.memory_space<vmem>> -> memref<100x128xf32, #tpu.memory_space<vmem>>
      %dma_wait3A_187 = arith.constant 0 : i32
      %dma_wait3A_188 = tpu.memref_slice %arg8[%dma_wait3A_182, %dma_wait3A_183, %dma_wait3A_187] : memref<3x2x100xi32, #tpu.memory_space<vmem>> -> memref<1x1x100xi32, #tpu.memory_space<vmem>>
      %dma_wait3A_189 = tpu.memref_squeeze %dma_wait3A_188 : memref<1x1x100xi32, #tpu.memory_space<vmem>> -> memref<100xi32, #tpu.memory_space<vmem>>
      %dma_wait3A_190 = arith.constant 0 : i32
      %dma_wait3A_191 = arith.constant 0 : i32
      %dma_wait3A_192 = tpu.memref_slice %arg5[%dma_wait3A_190, %dma_wait3A_191] : memref<100000x128xf32, #tpu.memory_space<hbm>> -> memref<100000x128xf32, #tpu.memory_space<hbm>>
      tpu.wait_indirect_dma semaphore(%arg16 : memref<!tpu.dma_semaphore, #tpu.memory_space<semaphore_mem>>) src(%dma_wait3A_192 : memref<100000x128xf32, #tpu.memory_space<hbm>>) dst(%dma_wait3A_186 : memref<100x128xf32, #tpu.memory_space<vmem>>)
      %dma_wait3A_193 = arith.constant 2 : i32
      %dma_wait3A_194 = arith.constant 0 : i32
      %dma_wait3A_195 = arith.constant 400 : i32
      %dma_wait3A_196 = arith.constant 0 : i32
      %dma_wait3A_197 = tpu.memref_slice %arg12[%dma_wait3A_195, %dma_wait3A_196] : memref<600x128xf32, #tpu.memory_space<vmem>> -> memref<100x128xf32, #tpu.memory_space<vmem>>
      %dma_wait3A_198 = arith.constant 0 : i32
      %dma_wait3A_199 = tpu.memref_slice %arg8[%dma_wait3A_193, %dma_wait3A_194, %dma_wait3A_198] : memref<3x2x100xi32, #tpu.memory_space<vmem>> -> memref<1x1x100xi32, #tpu.memory_space<vmem>>
      %dma_wait3A_200 = tpu.memref_squeeze %dma_wait3A_199 : memref<1x1x100xi32, #tpu.memory_space<vmem>> -> memref<100xi32, #tpu.memory_space<vmem>>
      %dma_wait3A_201 = arith.constant 0 : i32
      %dma_wait3A_202 = arith.constant 0 : i32
      %dma_wait3A_203 = tpu.memref_slice %arg6[%dma_wait3A_201, %dma_wait3A_202] : memref<100000x128xf32, #tpu.memory_space<hbm>> -> memref<100000x128xf32, #tpu.memory_space<hbm>>
      tpu.wait_indirect_dma semaphore(%arg16 : memref<!tpu.dma_semaphore, #tpu.memory_space<semaphore_mem>>) src(%dma_wait3A_203 : memref<100000x128xf32, #tpu.memory_space<hbm>>) dst(%dma_wait3A_197 : memref<100x128xf32, #tpu.memory_space<vmem>>)
      %dma_wait3A_204 = arith.constant 2 : i32
      %dma_wait3A_205 = arith.constant 1 : i32
      %dma_wait3A_206 = arith.constant 500 : i32
      %dma_wait3A_207 = arith.constant 0 : i32
      %dma_wait3A_208 = tpu.memref_slice %arg12[%dma_wait3A_206, %dma_wait3A_207] : memref<600x128xf32, #tpu.memory_space<vmem>> -> memref<100x128xf32, #tpu.memory_space<vmem>>
      %dma_wait3A_209 = arith.constant 0 : i32
      %dma_wait3A_210 = tpu.memref_slice %arg8[%dma_wait3A_204, %dma_wait3A_205, %dma_wait3A_209] : memref<3x2x100xi32, #tpu.memory_space<vmem>> -> memref<1x1x100xi32, #tpu.memory_space<vmem>>
      %dma_wait3A_211 = tpu.memref_squeeze %dma_wait3A_210 : memref<1x1x100xi32, #tpu.memory_space<vmem>> -> memref<100xi32, #tpu.memory_space<vmem>>
      %dma_wait3A_212 = arith.constant 0 : i32
      %dma_wait3A_213 = arith.constant 0 : i32
      %dma_wait3A_214 = tpu.memref_slice %arg6[%dma_wait3A_212, %dma_wait3A_213] : memref<100000x128xf32, #tpu.memory_space<hbm>> -> memref<100000x128xf32, #tpu.memory_space<hbm>>
      tpu.wait_indirect_dma semaphore(%arg16 : memref<!tpu.dma_semaphore, #tpu.memory_space<semaphore_mem>>) src(%dma_wait3A_214 : memref<100000x128xf32, #tpu.memory_space<hbm>>) dst(%dma_wait3A_208 : memref<100x128xf32, #tpu.memory_space<vmem>>)
      %get3A = arith.constant 0 : index
      %get3A_215 = tpu.vector_load %arg10[%get3A] {strides = array<i32>} : memref<384xf32, #tpu.memory_space<vmem>>, vector<16xf32>,
      %get3A_216 = arith.constant 16 : index
      %get3A_217 = tpu.vector_load %arg10[%get3A_216] {strides = array<i32>} : memref<384xf32, #tpu.memory_space<vmem>>, vector<16xf32>,
      %get3A_218 = arith.constant 32 : index
      %get3A_219 = tpu.vector_load %arg10[%get3A_218] {strides = array<i32>} : memref<384xf32, #tpu.memory_space<vmem>>, vector<16xf32>,
      %get3A_220 = arith.constant 48 : index
      %get3A_221 = tpu.vector_load %arg10[%get3A_220] {strides = array<i32>} : memref<384xf32, #tpu.memory_space<vmem>>, vector<16xf32>,
      %get3A_222 = arith.constant 64 : index
      %get3A_223 = tpu.vector_load %arg10[%get3A_222] {strides = array<i32>} : memref<384xf32, #tpu.memory_space<vmem>>, vector<16xf32>,
      %get3A_224 = arith.constant 80 : index
      %get3A_225 = tpu.vector_load %arg10[%get3A_224] {strides = array<i32>} : memref<384xf32, #tpu.memory_space<vmem>>, vector<16xf32>,
      %get3A_226 = arith.constant 96 : index
      %get3A_227 = tpu.vector_load %arg10[%get3A_226] {strides = array<i32>} : memref<384xf32, #tpu.memory_space<vmem>>, vector<16xf32>,
      %get3A_228 = arith.constant 112 : index
      %get3A_229 = tpu.vector_load %arg10[%get3A_228] {strides = array<i32>} : memref<384xf32, #tpu.memory_space<vmem>>, vector<16xf32>,
      %get3A_230 = arith.constant 128 : index
      %get3A_231 = tpu.vector_load %arg10[%get3A_230] {strides = array<i32>} : memref<384xf32, #tpu.memory_space<vmem>>, vector<16xf32>,
      %get3A_232 = arith.constant 144 : index
      %get3A_233 = tpu.vector_load %arg10[%get3A_232] {strides = array<i32>} : memref<384xf32, #tpu.memory_space<vmem>>, vector<16xf32>,
      %get3A_234 = arith.constant 160 : index
      %get3A_235 = tpu.vector_load %arg10[%get3A_234] {strides = array<i32>} : memref<384xf32, #tpu.memory_space<vmem>>, vector<16xf32>,
      %get3A_236 = arith.constant 176 : index
      %get3A_237 = tpu.vector_load %arg10[%get3A_236] {strides = array<i32>} : memref<384xf32, #tpu.memory_space<vmem>>, vector<16xf32>,
      %get3A_238 = arith.constant 192 : index
      %get3A_239 = tpu.vector_load %arg10[%get3A_238] {strides = array<i32>} : memref<384xf32, #tpu.memory_space<vmem>>, vector<16xf32>,
      %get3A_240 = arith.constant 208 : index
      %get3A_241 = tpu.vector_load %arg10[%get3A_240] {strides = array<i32>} : memref<384xf32, #tpu.memory_space<vmem>>, vector<16xf32>,
      %get3A_242 = arith.constant 224 : index
      %get3A_243 = tpu.vector_load %arg10[%get3A_242] {strides = array<i32>} : memref<384xf32, #tpu.memory_space<vmem>>, vector<16xf32>,
      %get3A_244 = arith.constant 240 : index
      %get3A_245 = tpu.vector_load %arg10[%get3A_244] {strides = array<i32>} : memref<384xf32, #tpu.memory_space<vmem>>, vector<16xf32>,
      %get3A_246 = arith.constant 256 : index
      %get3A_247 = tpu.vector_load %arg10[%get3A_246] {strides = array<i32>} : memref<384xf32, #tpu.memory_space<vmem>>, vector<16xf32>,
      %get3A_248 = arith.constant 272 : index
      %get3A_249 = tpu.vector_load %arg10[%get3A_248] {strides = array<i32>} : memref<384xf32, #tpu.memory_space<vmem>>, vector<16xf32>,
      %get3A_250 = arith.constant 288 : index
      %get3A_251 = tpu.vector_load %arg10[%get3A_250] {strides = array<i32>} : memref<384xf32, #tpu.memory_space<vmem>>, vector<16xf32>,
      %get3A_252 = arith.constant 304 : index
      %get3A_253 = tpu.vector_load %arg10[%get3A_252] {strides = array<i32>} : memref<384xf32, #tpu.memory_space<vmem>>, vector<16xf32>,
      %get3A_254 = arith.constant 320 : index
      %get3A_255 = tpu.vector_load %arg10[%get3A_254] {strides = array<i32>} : memref<384xf32, #tpu.memory_space<vmem>>, vector<16xf32>,
      %get3A_256 = arith.constant 336 : index
      %get3A_257 = tpu.vector_load %arg10[%get3A_256] {strides = array<i32>} : memref<384xf32, #tpu.memory_space<vmem>>, vector<16xf32>,
      %get3A_258 = arith.constant 352 : index
      %get3A_259 = tpu.vector_load %arg10[%get3A_258] {strides = array<i32>} : memref<384xf32, #tpu.memory_space<vmem>>, vector<16xf32>,
      %get3A_260 = arith.constant 368 : index
      %get3A_261 = tpu.vector_load %arg10[%get3A_260] {strides = array<i32>} : memref<384xf32, #tpu.memory_space<vmem>>, vector<16xf32>,
      %convert_element_type3A = arith.extui %lt3A_99 : i1 to i32
      %cond3A = arith.constant 0 : i32
      %cond3A_262 = arith.cmpi ne, %convert_element_type3A, %cond3A : i32
      scf.if %cond3A_262 {
        %add3A_550 = arith.constant 2 : i32
        %add3A_551 = arith.addi %add3A_104, %add3A_550 : i32
        %dma_start3A_552 = arith.constant 0 : i32
        %dma_start3A_553 = arith.constant 0 : i32
        %dma_start3A_554 = arith.constant 0 : i32
        %dma_start3A_555 = tpu.memref_slice %arg3[%add3A_551, %dma_start3A_552, %dma_start3A_553, %dma_start3A_554] : memref<1024x3x2x100xi32, #tpu.memory_space<hbm>> -> memref<1x3x2x100xi32, #tpu.memory_space<hbm>>
        %dma_start3A_556 = tpu.memref_squeeze %dma_start3A_555 : memref<1x3x2x100xi32, #tpu.memory_space<hbm>> -> memref<3x2x100xi32, #tpu.memory_space<hbm>>
        %dma_start3A_557 = arith.constant 0 : i32
        %dma_start3A_558 = arith.constant 0 : i32
        %dma_start3A_559 = arith.constant 0 : i32
        %dma_start3A_560 = tpu.memref_slice %arg3[%add3A_551, %dma_start3A_557, %dma_start3A_558, %dma_start3A_559] : memref<1024x3x2x100xi32, #tpu.memory_space<hbm>> -> memref<1x3x2x100xi32, #tpu.memory_space<hbm>>
        %dma_start3A_561 = tpu.memref_squeeze %dma_start3A_560 : memref<1x3x2x100xi32, #tpu.memory_space<hbm>> -> memref<3x2x100xi32, #tpu.memory_space<hbm>>
        tpu.enqueue_dma source(%dma_start3A_561 : memref<3x2x100xi32, #tpu.memory_space<hbm>>) target(%arg8 : memref<3x2x100xi32, #tpu.memory_space<vmem>>) target_semaphore(%arg17 : memref<!tpu.dma_semaphore, #tpu.memory_space<semaphore_mem>>)
        %dma_start3A_562 = arith.constant 0 : i32
        %dma_start3A_563 = tpu.memref_slice %arg2[%add3A_551, %dma_start3A_562] : memref<1024x384xf32, #tpu.memory_space<hbm>> -> memref<1x384xf32, #tpu.memory_space<hbm>>
        %dma_start3A_564 = tpu.memref_squeeze %dma_start3A_563 : memref<1x384xf32, #tpu.memory_space<hbm>> -> memref<384xf32, #tpu.memory_space<hbm>>
        %dma_start3A_565 = arith.constant 0 : i32
        %dma_start3A_566 = tpu.memref_slice %arg2[%add3A_551, %dma_start3A_565] : memref<1024x384xf32, #tpu.memory_space<hbm>> -> memref<1x384xf32, #tpu.memory_space<hbm>>
        %dma_start3A_567 = tpu.memref_squeeze %dma_start3A_566 : memref<1x384xf32, #tpu.memory_space<hbm>> -> memref<384xf32, #tpu.memory_space<hbm>>
        tpu.enqueue_dma source(%dma_start3A_567 : memref<384xf32, #tpu.memory_space<hbm>>) target(%arg10 : memref<384xf32, #tpu.memory_space<vmem>>) target_semaphore(%arg17 : memref<!tpu.dma_semaphore, #tpu.memory_space<semaphore_mem>>)
      } else {
      }
      %convert_element_type3A_263 = arith.extui %gt3A_98 : i1 to i32
      %cond3A_264 = arith.constant 0 : i32
      %cond3A_265 = arith.cmpi ne, %convert_element_type3A_263, %cond3A_264 : i32
      scf.if %cond3A_265 {
        %dma_wait3A_550 = arith.constant 0 : i32
        %dma_wait3A_551 = tpu.memref_slice %arg7[%add3A_104, %dma_wait3A_550] : memref<1024x256xf32, #tpu.memory_space<hbm>> -> memref<1x256xf32, #tpu.memory_space<hbm>>
        %dma_wait3A_552 = tpu.memref_squeeze %dma_wait3A_551 : memref<1x256xf32, #tpu.memory_space<hbm>> -> memref<256xf32, #tpu.memory_space<hbm>>
        %dma_wait3A_553 = arith.constant 0 : i32
        %dma_wait3A_554 = tpu.memref_slice %arg7[%add3A_104, %dma_wait3A_553] : memref<1024x256xf32, #tpu.memory_space<hbm>> -> memref<1x256xf32, #tpu.memory_space<hbm>>
        %dma_wait3A_555 = tpu.memref_squeeze %dma_wait3A_554 : memref<1x256xf32, #tpu.memory_space<hbm>> -> memref<256xf32, #tpu.memory_space<hbm>>
        tpu.wait_dma2 semaphore(%arg19 : memref<!tpu.dma_semaphore, #tpu.memory_space<semaphore_mem>>) src(%arg14 : memref<256xf32, #tpu.memory_space<vmem>>) dst(%dma_wait3A_555 : memref<256xf32, #tpu.memory_space<hbm>>)
      } else {
      }
      %eq3A = arith.constant 0 : i32
      %eq3A_266 = vector.broadcast %eq3A : i32 to vector<16xi32>
      %eq3A_267 = arith.cmpi eq, %iota3A, %eq3A_266 : vector<16xi32>
      %broadcast_in_dim3A = arith.constant 0 : i32
      %broadcast_in_dim3A_268 = vector.broadcast %broadcast_in_dim3A : i32 to vector<16xi32>
      %add3A_269 = arith.constant 8 : i32
      %add3A_270 = vector.broadcast %add3A_269 : i32 to vector<16xi32>
      %add3A_271 = arith.addi %iota3A, %add3A_270 : vector<16xi32>
      %and3A = arith.constant 15 : i32
      %and3A_272 = vector.broadcast %and3A : i32 to vector<16xi32>
      %and3A_273 = arith.andi %add3A_271, %and3A_272 : vector<16xi32>
      %add3A_274 = arith.constant 4 : i32
      %add3A_275 = vector.broadcast %add3A_274 : i32 to vector<16xi32>
      %add3A_276 = arith.addi %iota3A, %add3A_275 : vector<16xi32>
      %and3A_277 = arith.constant 15 : i32
      %and3A_278 = vector.broadcast %and3A_277 : i32 to vector<16xi32>
      %and3A_279 = arith.andi %add3A_276, %and3A_278 : vector<16xi32>
      %add3A_280 = arith.constant 2 : i32
      %add3A_281 = vector.broadcast %add3A_280 : i32 to vector<16xi32>
      %add3A_282 = arith.addi %iota3A, %add3A_281 : vector<16xi32>
      %and3A_283 = arith.constant 15 : i32
      %and3A_284 = vector.broadcast %and3A_283 : i32 to vector<16xi32>
      %and3A_285 = arith.andi %add3A_282, %and3A_284 : vector<16xi32>
      %add3A_286 = arith.constant 1 : i32
      %add3A_287 = vector.broadcast %add3A_286 : i32 to vector<16xi32>
      %add3A_288 = arith.addi %iota3A, %add3A_287 : vector<16xi32>
      %and3A_289 = arith.constant 15 : i32
      %and3A_290 = vector.broadcast %and3A_289 : i32 to vector<16xi32>
      %and3A_291 = arith.andi %add3A_288, %and3A_290 : vector<16xi32>
      %parallel_loop3A = arith.constant 0 : i32
      %parallel_loop3A_292 = arith.constant 200 : i32
      %parallel_loop3A_293 = arith.constant 1 : i32
      scf.for %parallel_loop3A_550 = %parallel_loop3A to %parallel_loop3A_292 step %parallel_loop3A_293  : i32 {
        %parallel_loop3A_551 = arith.constant 0 : i32
        %parallel_loop3A_552 = arith.addi %parallel_loop3A_551, %parallel_loop3A_550 : i32
        %parallel_loop3A_553 = arith.index_cast %parallel_loop3A_552 : i32 to index
        %parallel_loop3A_554 = arith.constant 0 : index
        %parallel_loop3A_555 = tpu.vector_load %arg12[%parallel_loop3A_553, %parallel_loop3A_554] {strides = array<i32>} : memref<600x128xf32, #tpu.memory_space<vmem>>, vector<16xf32>,
        %parallel_loop3A_556 = arith.mulf %parallel_loop3A_555, %get3A_215 : vector<16xf32>
        %parallel_loop3A_557 = arith.constant 0 : i32
        %parallel_loop3A_558 = arith.addi %parallel_loop3A_557, %parallel_loop3A_550 : i32
        %parallel_loop3A_559 = arith.index_cast %parallel_loop3A_558 : i32 to index
        %parallel_loop3A_560 = arith.constant 16 : index
        %parallel_loop3A_561 = tpu.vector_load %arg12[%parallel_loop3A_559, %parallel_loop3A_560] {strides = array<i32>} : memref<600x128xf32, #tpu.memory_space<vmem>>, vector<16xf32>,
        %parallel_loop3A_562 = arith.mulf %parallel_loop3A_561, %get3A_217 : vector<16xf32>
        %parallel_loop3A_563 = arith.constant 0 : i32
        %parallel_loop3A_564 = arith.addi %parallel_loop3A_563, %parallel_loop3A_550 : i32
        %parallel_loop3A_565 = arith.index_cast %parallel_loop3A_564 : i32 to index
        %parallel_loop3A_566 = arith.constant 32 : index
        %parallel_loop3A_567 = tpu.vector_load %arg12[%parallel_loop3A_565, %parallel_loop3A_566] {strides = array<i32>} : memref<600x128xf32, #tpu.memory_space<vmem>>, vector<16xf32>,
        %parallel_loop3A_568 = arith.mulf %parallel_loop3A_567, %get3A_219 : vector<16xf32>
        %parallel_loop3A_569 = arith.constant 0 : i32
        %parallel_loop3A_570 = arith.addi %parallel_loop3A_569, %parallel_loop3A_550 : i32
        %parallel_loop3A_571 = arith.index_cast %parallel_loop3A_570 : i32 to index
        %parallel_loop3A_572 = arith.constant 48 : index
        %parallel_loop3A_573 = tpu.vector_load %arg12[%parallel_loop3A_571, %parallel_loop3A_572] {strides = array<i32>} : memref<600x128xf32, #tpu.memory_space<vmem>>, vector<16xf32>,
        %parallel_loop3A_574 = arith.mulf %parallel_loop3A_573, %get3A_221 : vector<16xf32>
        %parallel_loop3A_575 = arith.constant 0 : i32
        %parallel_loop3A_576 = arith.addi %parallel_loop3A_575, %parallel_loop3A_550 : i32
        %parallel_loop3A_577 = arith.index_cast %parallel_loop3A_576 : i32 to index
        %parallel_loop3A_578 = arith.constant 64 : index
        %parallel_loop3A_579 = tpu.vector_load %arg12[%parallel_loop3A_577, %parallel_loop3A_578] {strides = array<i32>} : memref<600x128xf32, #tpu.memory_space<vmem>>, vector<16xf32>,
        %parallel_loop3A_580 = arith.mulf %parallel_loop3A_579, %get3A_223 : vector<16xf32>
        %parallel_loop3A_581 = arith.addf %parallel_loop3A_556, %parallel_loop3A_580 : vector<16xf32>
        %parallel_loop3A_582 = arith.constant 0 : i32
        %parallel_loop3A_583 = arith.addi %parallel_loop3A_582, %parallel_loop3A_550 : i32
        %parallel_loop3A_584 = arith.index_cast %parallel_loop3A_583 : i32 to index
        %parallel_loop3A_585 = arith.constant 80 : index
        %parallel_loop3A_586 = tpu.vector_load %arg12[%parallel_loop3A_584, %parallel_loop3A_585] {strides = array<i32>} : memref<600x128xf32, #tpu.memory_space<vmem>>, vector<16xf32>,
        %parallel_loop3A_587 = arith.mulf %parallel_loop3A_586, %get3A_225 : vector<16xf32>
        %parallel_loop3A_588 = arith.addf %parallel_loop3A_562, %parallel_loop3A_587 : vector<16xf32>
        %parallel_loop3A_589 = arith.constant 0 : i32
        %parallel_loop3A_590 = arith.addi %parallel_loop3A_589, %parallel_loop3A_550 : i32
        %parallel_loop3A_591 = arith.index_cast %parallel_loop3A_590 : i32 to index
        %parallel_loop3A_592 = arith.constant 96 : index
        %parallel_loop3A_593 = tpu.vector_load %arg12[%parallel_loop3A_591, %parallel_loop3A_592] {strides = array<i32>} : memref<600x128xf32, #tpu.memory_space<vmem>>, vector<16xf32>,
        %parallel_loop3A_594 = arith.mulf %parallel_loop3A_593, %get3A_227 : vector<16xf32>
        %parallel_loop3A_595 = arith.addf %parallel_loop3A_568, %parallel_loop3A_594 : vector<16xf32>
        %parallel_loop3A_596 = arith.constant 0 : i32
        %parallel_loop3A_597 = arith.addi %parallel_loop3A_596, %parallel_loop3A_550 : i32
        %parallel_loop3A_598 = arith.index_cast %parallel_loop3A_597 : i32 to index
        %parallel_loop3A_599 = arith.constant 112 : index
        %parallel_loop3A_600 = tpu.vector_load %arg12[%parallel_loop3A_598, %parallel_loop3A_599] {strides = array<i32>} : memref<600x128xf32, #tpu.memory_space<vmem>>, vector<16xf32>,
        %parallel_loop3A_601 = arith.mulf %parallel_loop3A_600, %get3A_229 : vector<16xf32>
        %parallel_loop3A_602 = arith.addf %parallel_loop3A_574, %parallel_loop3A_601 : vector<16xf32>
        %parallel_loop3A_603 = arith.constant 200 : i32
        %parallel_loop3A_604 = arith.addi %parallel_loop3A_603, %parallel_loop3A_550 : i32
        %parallel_loop3A_605 = arith.index_cast %parallel_loop3A_604 : i32 to index
        %parallel_loop3A_606 = arith.constant 0 : index
        %parallel_loop3A_607 = tpu.vector_load %arg12[%parallel_loop3A_605, %parallel_loop3A_606] {strides = array<i32>} : memref<600x128xf32, #tpu.memory_space<vmem>>, vector<16xf32>,
        %parallel_loop3A_608 = arith.mulf %parallel_loop3A_607, %get3A_231 : vector<16xf32>
        %parallel_loop3A_609 = arith.addf %parallel_loop3A_581, %parallel_loop3A_608 : vector<16xf32>
        %parallel_loop3A_610 = arith.constant 200 : i32
        %parallel_loop3A_611 = arith.addi %parallel_loop3A_610, %parallel_loop3A_550 : i32
        %parallel_loop3A_612 = arith.index_cast %parallel_loop3A_611 : i32 to index
        %parallel_loop3A_613 = arith.constant 16 : index
        %parallel_loop3A_614 = tpu.vector_load %arg12[%parallel_loop3A_612, %parallel_loop3A_613] {strides = array<i32>} : memref<600x128xf32, #tpu.memory_space<vmem>>, vector<16xf32>,
        %parallel_loop3A_615 = arith.mulf %parallel_loop3A_614, %get3A_233 : vector<16xf32>
        %parallel_loop3A_616 = arith.addf %parallel_loop3A_588, %parallel_loop3A_615 : vector<16xf32>
        %parallel_loop3A_617 = arith.constant 200 : i32
        %parallel_loop3A_618 = arith.addi %parallel_loop3A_617, %parallel_loop3A_550 : i32
        %parallel_loop3A_619 = arith.index_cast %parallel_loop3A_618 : i32 to index
        %parallel_loop3A_620 = arith.constant 32 : index
        %parallel_loop3A_621 = tpu.vector_load %arg12[%parallel_loop3A_619, %parallel_loop3A_620] {strides = array<i32>} : memref<600x128xf32, #tpu.memory_space<vmem>>, vector<16xf32>,
        %parallel_loop3A_622 = arith.mulf %parallel_loop3A_621, %get3A_235 : vector<16xf32>
        %parallel_loop3A_623 = arith.addf %parallel_loop3A_595, %parallel_loop3A_622 : vector<16xf32>
        %parallel_loop3A_624 = arith.constant 200 : i32
        %parallel_loop3A_625 = arith.addi %parallel_loop3A_624, %parallel_loop3A_550 : i32
        %parallel_loop3A_626 = arith.index_cast %parallel_loop3A_625 : i32 to index
        %parallel_loop3A_627 = arith.constant 48 : index
        %parallel_loop3A_628 = tpu.vector_load %arg12[%parallel_loop3A_626, %parallel_loop3A_627] {strides = array<i32>} : memref<600x128xf32, #tpu.memory_space<vmem>>, vector<16xf32>,
        %parallel_loop3A_629 = arith.mulf %parallel_loop3A_628, %get3A_237 : vector<16xf32>
        %parallel_loop3A_630 = arith.addf %parallel_loop3A_602, %parallel_loop3A_629 : vector<16xf32>
        %parallel_loop3A_631 = arith.constant 200 : i32
        %parallel_loop3A_632 = arith.addi %parallel_loop3A_631, %parallel_loop3A_550 : i32
        %parallel_loop3A_633 = arith.index_cast %parallel_loop3A_632 : i32 to index
        %parallel_loop3A_634 = arith.constant 64 : index
        %parallel_loop3A_635 = tpu.vector_load %arg12[%parallel_loop3A_633, %parallel_loop3A_634] {strides = array<i32>} : memref<600x128xf32, #tpu.memory_space<vmem>>, vector<16xf32>,
        %parallel_loop3A_636 = arith.mulf %parallel_loop3A_635, %get3A_239 : vector<16xf32>
        %parallel_loop3A_637 = arith.addf %parallel_loop3A_609, %parallel_loop3A_636 : vector<16xf32>
        %parallel_loop3A_638 = arith.constant 200 : i32
        %parallel_loop3A_639 = arith.addi %parallel_loop3A_638, %parallel_loop3A_550 : i32
        %parallel_loop3A_640 = arith.index_cast %parallel_loop3A_639 : i32 to index
        %parallel_loop3A_641 = arith.constant 80 : index
        %parallel_loop3A_642 = tpu.vector_load %arg12[%parallel_loop3A_640, %parallel_loop3A_641] {strides = array<i32>} : memref<600x128xf32, #tpu.memory_space<vmem>>, vector<16xf32>,
        %parallel_loop3A_643 = arith.mulf %parallel_loop3A_642, %get3A_241 : vector<16xf32>
        %parallel_loop3A_644 = arith.addf %parallel_loop3A_616, %parallel_loop3A_643 : vector<16xf32>
        %parallel_loop3A_645 = arith.constant 200 : i32
        %parallel_loop3A_646 = arith.addi %parallel_loop3A_645, %parallel_loop3A_550 : i32
        %parallel_loop3A_647 = arith.index_cast %parallel_loop3A_646 : i32 to index
        %parallel_loop3A_648 = arith.constant 96 : index
        %parallel_loop3A_649 = tpu.vector_load %arg12[%parallel_loop3A_647, %parallel_loop3A_648] {strides = array<i32>} : memref<600x128xf32, #tpu.memory_space<vmem>>, vector<16xf32>,
        %parallel_loop3A_650 = arith.mulf %parallel_loop3A_649, %get3A_243 : vector<16xf32>
        %parallel_loop3A_651 = arith.addf %parallel_loop3A_623, %parallel_loop3A_650 : vector<16xf32>
        %parallel_loop3A_652 = arith.constant 200 : i32
        %parallel_loop3A_653 = arith.addi %parallel_loop3A_652, %parallel_loop3A_550 : i32
        %parallel_loop3A_654 = arith.index_cast %parallel_loop3A_653 : i32 to index
        %parallel_loop3A_655 = arith.constant 112 : index
        %parallel_loop3A_656 = tpu.vector_load %arg12[%parallel_loop3A_654, %parallel_loop3A_655] {strides = array<i32>} : memref<600x128xf32, #tpu.memory_space<vmem>>, vector<16xf32>,
        %parallel_loop3A_657 = arith.mulf %parallel_loop3A_656, %get3A_245 : vector<16xf32>
        %parallel_loop3A_658 = arith.addf %parallel_loop3A_630, %parallel_loop3A_657 : vector<16xf32>
        %parallel_loop3A_659 = arith.constant 400 : i32
        %parallel_loop3A_660 = arith.addi %parallel_loop3A_659, %parallel_loop3A_550 : i32
        %parallel_loop3A_661 = arith.index_cast %parallel_loop3A_660 : i32 to index
        %parallel_loop3A_662 = arith.constant 0 : index
        %parallel_loop3A_663 = tpu.vector_load %arg12[%parallel_loop3A_661, %parallel_loop3A_662] {strides = array<i32>} : memref<600x128xf32, #tpu.memory_space<vmem>>, vector<16xf32>,
        %parallel_loop3A_664 = arith.mulf %parallel_loop3A_663, %get3A_247 : vector<16xf32>
        %parallel_loop3A_665 = arith.addf %parallel_loop3A_637, %parallel_loop3A_664 : vector<16xf32>
        %parallel_loop3A_666 = arith.constant 400 : i32
        %parallel_loop3A_667 = arith.addi %parallel_loop3A_666, %parallel_loop3A_550 : i32
        %parallel_loop3A_668 = arith.index_cast %parallel_loop3A_667 : i32 to index
        %parallel_loop3A_669 = arith.constant 16 : index
        %parallel_loop3A_670 = tpu.vector_load %arg12[%parallel_loop3A_668, %parallel_loop3A_669] {strides = array<i32>} : memref<600x128xf32, #tpu.memory_space<vmem>>, vector<16xf32>,
        %parallel_loop3A_671 = arith.mulf %parallel_loop3A_670, %get3A_249 : vector<16xf32>
        %parallel_loop3A_672 = arith.addf %parallel_loop3A_644, %parallel_loop3A_671 : vector<16xf32>
        %parallel_loop3A_673 = arith.constant 400 : i32
        %parallel_loop3A_674 = arith.addi %parallel_loop3A_673, %parallel_loop3A_550 : i32
        %parallel_loop3A_675 = arith.index_cast %parallel_loop3A_674 : i32 to index
        %parallel_loop3A_676 = arith.constant 32 : index
        %parallel_loop3A_677 = tpu.vector_load %arg12[%parallel_loop3A_675, %parallel_loop3A_676] {strides = array<i32>} : memref<600x128xf32, #tpu.memory_space<vmem>>, vector<16xf32>,
        %parallel_loop3A_678 = arith.mulf %parallel_loop3A_677, %get3A_251 : vector<16xf32>
        %parallel_loop3A_679 = arith.addf %parallel_loop3A_651, %parallel_loop3A_678 : vector<16xf32>
        %parallel_loop3A_680 = arith.constant 400 : i32
        %parallel_loop3A_681 = arith.addi %parallel_loop3A_680, %parallel_loop3A_550 : i32
        %parallel_loop3A_682 = arith.index_cast %parallel_loop3A_681 : i32 to index
        %parallel_loop3A_683 = arith.constant 48 : index
        %parallel_loop3A_684 = tpu.vector_load %arg12[%parallel_loop3A_682, %parallel_loop3A_683] {strides = array<i32>} : memref<600x128xf32, #tpu.memory_space<vmem>>, vector<16xf32>,
        %parallel_loop3A_685 = arith.mulf %parallel_loop3A_684, %get3A_253 : vector<16xf32>
        %parallel_loop3A_686 = arith.addf %parallel_loop3A_658, %parallel_loop3A_685 : vector<16xf32>
        %parallel_loop3A_687 = arith.constant 400 : i32
        %parallel_loop3A_688 = arith.addi %parallel_loop3A_687, %parallel_loop3A_550 : i32
        %parallel_loop3A_689 = arith.index_cast %parallel_loop3A_688 : i32 to index
        %parallel_loop3A_690 = arith.constant 64 : index
        %parallel_loop3A_691 = tpu.vector_load %arg12[%parallel_loop3A_689, %parallel_loop3A_690] {strides = array<i32>} : memref<600x128xf32, #tpu.memory_space<vmem>>, vector<16xf32>,
        %parallel_loop3A_692 = arith.mulf %parallel_loop3A_691, %get3A_255 : vector<16xf32>
        %parallel_loop3A_693 = arith.addf %parallel_loop3A_665, %parallel_loop3A_692 : vector<16xf32>
        %parallel_loop3A_694 = arith.constant 400 : i32
        %parallel_loop3A_695 = arith.addi %parallel_loop3A_694, %parallel_loop3A_550 : i32
        %parallel_loop3A_696 = arith.index_cast %parallel_loop3A_695 : i32 to index
        %parallel_loop3A_697 = arith.constant 80 : index
        %parallel_loop3A_698 = tpu.vector_load %arg12[%parallel_loop3A_696, %parallel_loop3A_697] {strides = array<i32>} : memref<600x128xf32, #tpu.memory_space<vmem>>, vector<16xf32>,
        %parallel_loop3A_699 = arith.mulf %parallel_loop3A_698, %get3A_257 : vector<16xf32>
        %parallel_loop3A_700 = arith.addf %parallel_loop3A_672, %parallel_loop3A_699 : vector<16xf32>
        %parallel_loop3A_701 = arith.constant 400 : i32
        %parallel_loop3A_702 = arith.addi %parallel_loop3A_701, %parallel_loop3A_550 : i32
        %parallel_loop3A_703 = arith.index_cast %parallel_loop3A_702 : i32 to index
        %parallel_loop3A_704 = arith.constant 96 : index
        %parallel_loop3A_705 = tpu.vector_load %arg12[%parallel_loop3A_703, %parallel_loop3A_704] {strides = array<i32>} : memref<600x128xf32, #tpu.memory_space<vmem>>, vector<16xf32>,
        %parallel_loop3A_706 = arith.mulf %parallel_loop3A_705, %get3A_259 : vector<16xf32>
        %parallel_loop3A_707 = arith.addf %parallel_loop3A_679, %parallel_loop3A_706 : vector<16xf32>
        %parallel_loop3A_708 = arith.constant 400 : i32
        %parallel_loop3A_709 = arith.addi %parallel_loop3A_708, %parallel_loop3A_550 : i32
        %parallel_loop3A_710 = arith.index_cast %parallel_loop3A_709 : i32 to index
        %parallel_loop3A_711 = arith.constant 112 : index
        %parallel_loop3A_712 = tpu.vector_load %arg12[%parallel_loop3A_710, %parallel_loop3A_711] {strides = array<i32>} : memref<600x128xf32, #tpu.memory_space<vmem>>, vector<16xf32>,
        %parallel_loop3A_713 = arith.mulf %parallel_loop3A_712, %get3A_261 : vector<16xf32>
        %parallel_loop3A_714 = arith.addf %parallel_loop3A_686, %parallel_loop3A_713 : vector<16xf32>
        %parallel_loop3A_715 = arith.addf %parallel_loop3A_693, %parallel_loop3A_700 : vector<16xf32>
        %parallel_loop3A_716 = arith.addf %parallel_loop3A_707, %parallel_loop3A_714 : vector<16xf32>
        %parallel_loop3A_717 = arith.addf %parallel_loop3A_715, %parallel_loop3A_716 : vector<16xf32>
        %parallel_loop3A_718 = vector.shape_cast %and3A_273 : vector<16xi32> to vector<16x1xi32>
        %parallel_loop3A_719 = vector.shape_cast %parallel_loop3A_718 : vector<16x1xi32> to vector<16xi32>
        %parallel_loop3A_720 = tpu.dynamic_gather %parallel_loop3A_717[%parallel_loop3A_719] in [0] : vector<16xf32>, vector<16xi32> -> vector<16xf32>
        %parallel_loop3A_721 = arith.addf %parallel_loop3A_717, %parallel_loop3A_720 : vector<16xf32>
        %parallel_loop3A_722 = vector.shape_cast %and3A_279 : vector<16xi32> to vector<16x1xi32>
        %parallel_loop3A_723 = vector.shape_cast %parallel_loop3A_722 : vector<16x1xi32> to vector<16xi32>
        %parallel_loop3A_724 = tpu.dynamic_gather %parallel_loop3A_721[%parallel_loop3A_723] in [0] : vector<16xf32>, vector<16xi32> -> vector<16xf32>
        %parallel_loop3A_725 = arith.addf %parallel_loop3A_721, %parallel_loop3A_724 : vector<16xf32>
        %parallel_loop3A_726 = vector.shape_cast %and3A_285 : vector<16xi32> to vector<16x1xi32>
        %parallel_loop3A_727 = vector.shape_cast %parallel_loop3A_726 : vector<16x1xi32> to vector<16xi32>
        %parallel_loop3A_728 = tpu.dynamic_gather %parallel_loop3A_725[%parallel_loop3A_727] in [0] : vector<16xf32>, vector<16xi32> -> vector<16xf32>
        %parallel_loop3A_729 = arith.addf %parallel_loop3A_725, %parallel_loop3A_728 : vector<16xf32>
        %parallel_loop3A_730 = vector.shape_cast %and3A_291 : vector<16xi32> to vector<16x1xi32>
        %parallel_loop3A_731 = vector.shape_cast %parallel_loop3A_730 : vector<16x1xi32> to vector<16xi32>
        %parallel_loop3A_732 = tpu.dynamic_gather %parallel_loop3A_729[%parallel_loop3A_731] in [0] : vector<16xf32>, vector<16xi32> -> vector<16xf32>
        %parallel_loop3A_733 = arith.addf %parallel_loop3A_729, %parallel_loop3A_732 : vector<16xf32>
        %parallel_loop3A_734 = vector.broadcast %parallel_loop3A_550 : i32 to vector<16xi32>
        %parallel_loop3A_735 = arith.addi %parallel_loop3A_734, %broadcast_in_dim3A_268 : vector<16xi32>
        tpu.vector_store_idx %arg14[%parallel_loop3A_735], %parallel_loop3A_733 masked %eq3A_267 : memref<256xf32, #tpu.memory_space<vmem>>[vector<16xi32>], vector<16xf32>, vector<16xi1>
      } {sc.loop_unroll_factor = 2 : i64, sc.parallel_access}
      %add3A_294 = arith.constant 1 : i32
      %add3A_295 = arith.addi %add3A_104, %add3A_294 : i32
      %dma_wait3A_296 = arith.constant 0 : i32
      %dma_wait3A_297 = arith.constant 0 : i32
      %dma_wait3A_298 = arith.constant 0 : i32
      %dma_wait3A_299 = tpu.memref_slice %arg3[%add3A_295, %dma_wait3A_296, %dma_wait3A_297, %dma_wait3A_298] : memref<1024x3x2x100xi32, #tpu.memory_space<hbm>> -> memref<1x3x2x100xi32, #tpu.memory_space<hbm>>
      %dma_wait3A_300 = tpu.memref_squeeze %dma_wait3A_299 : memref<1x3x2x100xi32, #tpu.memory_space<hbm>> -> memref<3x2x100xi32, #tpu.memory_space<hbm>>
      %dma_wait3A_301 = arith.constant 0 : i32
      %dma_wait3A_302 = arith.constant 0 : i32
      %dma_wait3A_303 = arith.constant 0 : i32
      %dma_wait3A_304 = tpu.memref_slice %arg3[%add3A_295, %dma_wait3A_301, %dma_wait3A_302, %dma_wait3A_303] : memref<1024x3x2x100xi32, #tpu.memory_space<hbm>> -> memref<1x3x2x100xi32, #tpu.memory_space<hbm>>
      %dma_wait3A_305 = tpu.memref_squeeze %dma_wait3A_304 : memref<1x3x2x100xi32, #tpu.memory_space<hbm>> -> memref<3x2x100xi32, #tpu.memory_space<hbm>>
      tpu.wait_dma2 semaphore(%arg18 : memref<!tpu.dma_semaphore, #tpu.memory_space<semaphore_mem>>) src(%dma_wait3A_305 : memref<3x2x100xi32, #tpu.memory_space<hbm>>) dst(%arg9 : memref<3x2x100xi32, #tpu.memory_space<vmem>>)
      %dma_wait3A_306 = arith.constant 0 : i32
      %dma_wait3A_307 = tpu.memref_slice %arg2[%add3A_295, %dma_wait3A_306] : memref<1024x384xf32, #tpu.memory_space<hbm>> -> memref<1x384xf32, #tpu.memory_space<hbm>>
      %dma_wait3A_308 = tpu.memref_squeeze %dma_wait3A_307 : memref<1x384xf32, #tpu.memory_space<hbm>> -> memref<384xf32, #tpu.memory_space<hbm>>
      %dma_wait3A_309 = arith.constant 0 : i32
      %dma_wait3A_310 = tpu.memref_slice %arg2[%add3A_295, %dma_wait3A_309] : memref<1024x384xf32, #tpu.memory_space<hbm>> -> memref<1x384xf32, #tpu.memory_space<hbm>>
      %dma_wait3A_311 = tpu.memref_squeeze %dma_wait3A_310 : memref<1x384xf32, #tpu.memory_space<hbm>> -> memref<384xf32, #tpu.memory_space<hbm>>
      tpu.wait_dma2 semaphore(%arg18 : memref<!tpu.dma_semaphore, #tpu.memory_space<semaphore_mem>>) src(%dma_wait3A_311 : memref<384xf32, #tpu.memory_space<hbm>>) dst(%arg11 : memref<384xf32, #tpu.memory_space<vmem>>)
      %dma_start3A_312 = arith.constant 0 : i32
      %dma_start3A_313 = arith.constant 0 : i32
      %dma_start3A_314 = arith.constant 0 : i32
      %dma_start3A_315 = arith.constant 0 : i32
      %dma_start3A_316 = tpu.memref_slice %arg13[%dma_start3A_314, %dma_start3A_315] : memref<200x128xf32, #tpu.memory_space<vmem>> -> memref<100x128xf32, #tpu.memory_space<vmem>>
      %dma_start3A_317 = arith.constant 0 : i32
      %dma_start3A_318 = tpu.memref_slice %arg9[%dma_start3A_312, %dma_start3A_313, %dma_start3A_317] : memref<3x2x100xi32, #tpu.memory_space<vmem>> -> memref<1x1x100xi32, #tpu.memory_space<vmem>>
      %dma_start3A_319 = tpu.memref_squeeze %dma_start3A_318 : memref<1x1x100xi32, #tpu.memory_space<vmem>> -> memref<100xi32, #tpu.memory_space<vmem>>
      %dma_start3A_320 = arith.constant 0 : i32
      %dma_start3A_321 = arith.constant 0 : i32
      %dma_start3A_322 = tpu.memref_slice %arg4[%dma_start3A_320, %dma_start3A_321] : memref<1000x128xf32, #tpu.memory_space<hbm>> -> memref<1000x128xf32, #tpu.memory_space<hbm>>
      tpu.enqueue_indirect_dma source(%dma_start3A_322 : memref<1000x128xf32, #tpu.memory_space<hbm>>) target(%dma_start3A_316 : memref<100x128xf32, #tpu.memory_space<vmem>>) offsets(%dma_start3A_319 : memref<100xi32, #tpu.memory_space<vmem>>) semaphore(%arg16 : memref<!tpu.dma_semaphore, #tpu.memory_space<semaphore_mem>>)
      %dma_start3A_323 = arith.constant 0 : i32
      %dma_start3A_324 = arith.constant 1 : i32
      %dma_start3A_325 = arith.constant 100 : i32
      %dma_start3A_326 = arith.constant 0 : i32
      %dma_start3A_327 = tpu.memref_slice %arg13[%dma_start3A_325, %dma_start3A_326] : memref<200x128xf32, #tpu.memory_space<vmem>> -> memref<100x128xf32, #tpu.memory_space<vmem>>
      %dma_start3A_328 = arith.constant 0 : i32
      %dma_start3A_329 = tpu.memref_slice %arg9[%dma_start3A_323, %dma_start3A_324, %dma_start3A_328] : memref<3x2x100xi32, #tpu.memory_space<vmem>> -> memref<1x1x100xi32, #tpu.memory_space<vmem>>
      %dma_start3A_330 = tpu.memref_squeeze %dma_start3A_329 : memref<1x1x100xi32, #tpu.memory_space<vmem>> -> memref<100xi32, #tpu.memory_space<vmem>>
      %dma_start3A_331 = arith.constant 0 : i32
      %dma_start3A_332 = arith.constant 0 : i32
      %dma_start3A_333 = tpu.memref_slice %arg4[%dma_start3A_331, %dma_start3A_332] : memref<1000x128xf32, #tpu.memory_space<hbm>> -> memref<1000x128xf32, #tpu.memory_space<hbm>>
      tpu.enqueue_indirect_dma source(%dma_start3A_333 : memref<1000x128xf32, #tpu.memory_space<hbm>>) target(%dma_start3A_327 : memref<100x128xf32, #tpu.memory_space<vmem>>) offsets(%dma_start3A_330 : memref<100xi32, #tpu.memory_space<vmem>>) semaphore(%arg16 : memref<!tpu.dma_semaphore, #tpu.memory_space<semaphore_mem>>)
      %dma_start3A_334 = arith.constant 0 : i32
      %dma_start3A_335 = tpu.memref_slice %arg7[%add3A_104, %dma_start3A_334] : memref<1024x256xf32, #tpu.memory_space<hbm>> -> memref<1x256xf32, #tpu.memory_space<hbm>>
      %dma_start3A_336 = tpu.memref_squeeze %dma_start3A_335 : memref<1x256xf32, #tpu.memory_space<hbm>> -> memref<256xf32, #tpu.memory_space<hbm>>
      %dma_start3A_337 = arith.constant 0 : i32
      %dma_start3A_338 = tpu.memref_slice %arg7[%add3A_104, %dma_start3A_337] : memref<1024x256xf32, #tpu.memory_space<hbm>> -> memref<1x256xf32, #tpu.memory_space<hbm>>
      %dma_start3A_339 = tpu.memref_squeeze %dma_start3A_338 : memref<1x256xf32, #tpu.memory_space<hbm>> -> memref<256xf32, #tpu.memory_space<hbm>>
      tpu.enqueue_dma source(%arg14 : memref<256xf32, #tpu.memory_space<vmem>>) target(%dma_start3A_339 : memref<256xf32, #tpu.memory_space<hbm>>) target_semaphore(%arg19 : memref<!tpu.dma_semaphore, #tpu.memory_space<semaphore_mem>>)
      %mul3A_340 = arith.constant 2 : i32
      %mul3A_341 = arith.muli %mul3A_340, %scan3A_97 : i32
      %add3A_342 = arith.addi %mul3A_2, %mul3A_341 : i32
      %add3A_343 = arith.constant 1 : i32
      %add3A_344 = arith.addi %add3A_342, %add3A_343 : i32
      %dma_start3A_345 = arith.constant 1 : i32
      %dma_start3A_346 = arith.constant 0 : i32
      %dma_start3A_347 = arith.constant 200 : i32
      %dma_start3A_348 = arith.constant 0 : i32
      %dma_start3A_349 = tpu.memref_slice %arg12[%dma_start3A_347, %dma_start3A_348] : memref<600x128xf32, #tpu.memory_space<vmem>> -> memref<100x128xf32, #tpu.memory_space<vmem>>
      %dma_start3A_350 = arith.constant 0 : i32
      %dma_start3A_351 = tpu.memref_slice %arg9[%dma_start3A_345, %dma_start3A_346, %dma_start3A_350] : memref<3x2x100xi32, #tpu.memory_space<vmem>> -> memref<1x1x100xi32, #tpu.memory_space<vmem>>
      %dma_start3A_352 = tpu.memref_squeeze %dma_start3A_351 : memref<1x1x100xi32, #tpu.memory_space<vmem>> -> memref<100xi32, #tpu.memory_space<vmem>>
      %dma_start3A_353 = arith.constant 0 : i32
      %dma_start3A_354 = arith.constant 0 : i32
      %dma_start3A_355 = tpu.memref_slice %arg5[%dma_start3A_353, %dma_start3A_354] : memref<100000x128xf32, #tpu.memory_space<hbm>> -> memref<100000x128xf32, #tpu.memory_space<hbm>>
      tpu.enqueue_indirect_dma source(%dma_start3A_355 : memref<100000x128xf32, #tpu.memory_space<hbm>>) target(%dma_start3A_349 : memref<100x128xf32, #tpu.memory_space<vmem>>) offsets(%dma_start3A_352 : memref<100xi32, #tpu.memory_space<vmem>>) semaphore(%arg16 : memref<!tpu.dma_semaphore, #tpu.memory_space<semaphore_mem>>)
      %dma_start3A_356 = arith.constant 1 : i32
      %dma_start3A_357 = arith.constant 1 : i32
      %dma_start3A_358 = arith.constant 300 : i32
      %dma_start3A_359 = arith.constant 0 : i32
      %dma_start3A_360 = tpu.memref_slice %arg12[%dma_start3A_358, %dma_start3A_359] : memref<600x128xf32, #tpu.memory_space<vmem>> -> memref<100x128xf32, #tpu.memory_space<vmem>>
      %dma_start3A_361 = arith.constant 0 : i32
      %dma_start3A_362 = tpu.memref_slice %arg9[%dma_start3A_356, %dma_start3A_357, %dma_start3A_361] : memref<3x2x100xi32, #tpu.memory_space<vmem>> -> memref<1x1x100xi32, #tpu.memory_space<vmem>>
      %dma_start3A_363 = tpu.memref_squeeze %dma_start3A_362 : memref<1x1x100xi32, #tpu.memory_space<vmem>> -> memref<100xi32, #tpu.memory_space<vmem>>
      %dma_start3A_364 = arith.constant 0 : i32
      %dma_start3A_365 = arith.constant 0 : i32
      %dma_start3A_366 = tpu.memref_slice %arg5[%dma_start3A_364, %dma_start3A_365] : memref<100000x128xf32, #tpu.memory_space<hbm>> -> memref<100000x128xf32, #tpu.memory_space<hbm>>
      tpu.enqueue_indirect_dma source(%dma_start3A_366 : memref<100000x128xf32, #tpu.memory_space<hbm>>) target(%dma_start3A_360 : memref<100x128xf32, #tpu.memory_space<vmem>>) offsets(%dma_start3A_363 : memref<100xi32, #tpu.memory_space<vmem>>) semaphore(%arg16 : memref<!tpu.dma_semaphore, #tpu.memory_space<semaphore_mem>>)
      %dma_start3A_367 = arith.constant 2 : i32
      %dma_start3A_368 = arith.constant 0 : i32
      %dma_start3A_369 = arith.constant 400 : i32
      %dma_start3A_370 = arith.constant 0 : i32
      %dma_start3A_371 = tpu.memref_slice %arg12[%dma_start3A_369, %dma_start3A_370] : memref<600x128xf32, #tpu.memory_space<vmem>> -> memref<100x128xf32, #tpu.memory_space<vmem>>
      %dma_start3A_372 = arith.constant 0 : i32
      %dma_start3A_373 = tpu.memref_slice %arg9[%dma_start3A_367, %dma_start3A_368, %dma_start3A_372] : memref<3x2x100xi32, #tpu.memory_space<vmem>> -> memref<1x1x100xi32, #tpu.memory_space<vmem>>
      %dma_start3A_374 = tpu.memref_squeeze %dma_start3A_373 : memref<1x1x100xi32, #tpu.memory_space<vmem>> -> memref<100xi32, #tpu.memory_space<vmem>>
      %dma_start3A_375 = arith.constant 0 : i32
      %dma_start3A_376 = arith.constant 0 : i32
      %dma_start3A_377 = tpu.memref_slice %arg6[%dma_start3A_375, %dma_start3A_376] : memref<100000x128xf32, #tpu.memory_space<hbm>> -> memref<100000x128xf32, #tpu.memory_space<hbm>>
      tpu.enqueue_indirect_dma source(%dma_start3A_377 : memref<100000x128xf32, #tpu.memory_space<hbm>>) target(%dma_start3A_371 : memref<100x128xf32, #tpu.memory_space<vmem>>) offsets(%dma_start3A_374 : memref<100xi32, #tpu.memory_space<vmem>>) semaphore(%arg16 : memref<!tpu.dma_semaphore, #tpu.memory_space<semaphore_mem>>)
      %dma_start3A_378 = arith.constant 2 : i32
      %dma_start3A_379 = arith.constant 1 : i32
      %dma_start3A_380 = arith.constant 500 : i32
      %dma_start3A_381 = arith.constant 0 : i32
      %dma_start3A_382 = tpu.memref_slice %arg12[%dma_start3A_380, %dma_start3A_381] : memref<600x128xf32, #tpu.memory_space<vmem>> -> memref<100x128xf32, #tpu.memory_space<vmem>>
      %dma_start3A_383 = arith.constant 0 : i32
      %dma_start3A_384 = tpu.memref_slice %arg9[%dma_start3A_378, %dma_start3A_379, %dma_start3A_383] : memref<3x2x100xi32, #tpu.memory_space<vmem>> -> memref<1x1x100xi32, #tpu.memory_space<vmem>>
      %dma_start3A_385 = tpu.memref_squeeze %dma_start3A_384 : memref<1x1x100xi32, #tpu.memory_space<vmem>> -> memref<100xi32, #tpu.memory_space<vmem>>
      %dma_start3A_386 = arith.constant 0 : i32
      %dma_start3A_387 = arith.constant 0 : i32
      %dma_start3A_388 = tpu.memref_slice %arg6[%dma_start3A_386, %dma_start3A_387] : memref<100000x128xf32, #tpu.memory_space<hbm>> -> memref<100000x128xf32, #tpu.memory_space<hbm>>
      tpu.enqueue_indirect_dma source(%dma_start3A_388 : memref<100000x128xf32, #tpu.memory_space<hbm>>) target(%dma_start3A_382 : memref<100x128xf32, #tpu.memory_space<vmem>>) offsets(%dma_start3A_385 : memref<100xi32, #tpu.memory_space<vmem>>) semaphore(%arg16 : memref<!tpu.dma_semaphore, #tpu.memory_space<semaphore_mem>>)
      %dma_wait3A_389 = arith.constant 0 : i32
      %dma_wait3A_390 = arith.constant 0 : i32
      %dma_wait3A_391 = arith.constant 0 : i32
      %dma_wait3A_392 = arith.constant 0 : i32
      %dma_wait3A_393 = tpu.memref_slice %arg13[%dma_wait3A_391, %dma_wait3A_392] : memref<200x128xf32, #tpu.memory_space<vmem>> -> memref<100x128xf32, #tpu.memory_space<vmem>>
      %dma_wait3A_394 = arith.constant 0 : i32
      %dma_wait3A_395 = tpu.memref_slice %arg9[%dma_wait3A_389, %dma_wait3A_390, %dma_wait3A_394] : memref<3x2x100xi32, #tpu.memory_space<vmem>> -> memref<1x1x100xi32, #tpu.memory_space<vmem>>
      %dma_wait3A_396 = tpu.memref_squeeze %dma_wait3A_395 : memref<1x1x100xi32, #tpu.memory_space<vmem>> -> memref<100xi32, #tpu.memory_space<vmem>>
      %dma_wait3A_397 = arith.constant 0 : i32
      %dma_wait3A_398 = arith.constant 0 : i32
      %dma_wait3A_399 = tpu.memref_slice %arg4[%dma_wait3A_397, %dma_wait3A_398] : memref<1000x128xf32, #tpu.memory_space<hbm>> -> memref<1000x128xf32, #tpu.memory_space<hbm>>
      tpu.wait_indirect_dma semaphore(%arg16 : memref<!tpu.dma_semaphore, #tpu.memory_space<semaphore_mem>>) src(%dma_wait3A_399 : memref<1000x128xf32, #tpu.memory_space<hbm>>) dst(%dma_wait3A_393 : memref<100x128xf32, #tpu.memory_space<vmem>>)
      %dma_wait3A_400 = arith.constant 0 : i32
      %dma_wait3A_401 = arith.constant 1 : i32
      %dma_wait3A_402 = arith.constant 100 : i32
      %dma_wait3A_403 = arith.constant 0 : i32
      %dma_wait3A_404 = tpu.memref_slice %arg13[%dma_wait3A_402, %dma_wait3A_403] : memref<200x128xf32, #tpu.memory_space<vmem>> -> memref<100x128xf32, #tpu.memory_space<vmem>>
      %dma_wait3A_405 = arith.constant 0 : i32
      %dma_wait3A_406 = tpu.memref_slice %arg9[%dma_wait3A_400, %dma_wait3A_401, %dma_wait3A_405] : memref<3x2x100xi32, #tpu.memory_space<vmem>> -> memref<1x1x100xi32, #tpu.memory_space<vmem>>
      %dma_wait3A_407 = tpu.memref_squeeze %dma_wait3A_406 : memref<1x1x100xi32, #tpu.memory_space<vmem>> -> memref<100xi32, #tpu.memory_space<vmem>>
      %dma_wait3A_408 = arith.constant 0 : i32
      %dma_wait3A_409 = arith.constant 0 : i32
      %dma_wait3A_410 = tpu.memref_slice %arg4[%dma_wait3A_408, %dma_wait3A_409] : memref<1000x128xf32, #tpu.memory_space<hbm>> -> memref<1000x128xf32, #tpu.memory_space<hbm>>
      tpu.wait_indirect_dma semaphore(%arg16 : memref<!tpu.dma_semaphore, #tpu.memory_space<semaphore_mem>>) src(%dma_wait3A_410 : memref<1000x128xf32, #tpu.memory_space<hbm>>) dst(%dma_wait3A_404 : memref<100x128xf32, #tpu.memory_space<vmem>>)
      %dma_wait3A_411 = arith.constant 1 : i32
      %dma_wait3A_412 = arith.constant 0 : i32
      %dma_wait3A_413 = arith.constant 200 : i32
      %dma_wait3A_414 = arith.constant 0 : i32
      %dma_wait3A_415 = tpu.memref_slice %arg12[%dma_wait3A_413, %dma_wait3A_414] : memref<600x128xf32, #tpu.memory_space<vmem>> -> memref<100x128xf32, #tpu.memory_space<vmem>>
      %dma_wait3A_416 = arith.constant 0 : i32
      %dma_wait3A_417 = tpu.memref_slice %arg9[%dma_wait3A_411, %dma_wait3A_412, %dma_wait3A_416] : memref<3x2x100xi32, #tpu.memory_space<vmem>> -> memref<1x1x100xi32, #tpu.memory_space<vmem>>
      %dma_wait3A_418 = tpu.memref_squeeze %dma_wait3A_417 : memref<1x1x100xi32, #tpu.memory_space<vmem>> -> memref<100xi32, #tpu.memory_space<vmem>>
      %dma_wait3A_419 = arith.constant 0 : i32
      %dma_wait3A_420 = arith.constant 0 : i32
      %dma_wait3A_421 = tpu.memref_slice %arg5[%dma_wait3A_419, %dma_wait3A_420] : memref<100000x128xf32, #tpu.memory_space<hbm>> -> memref<100000x128xf32, #tpu.memory_space<hbm>>
      tpu.wait_indirect_dma semaphore(%arg16 : memref<!tpu.dma_semaphore, #tpu.memory_space<semaphore_mem>>) src(%dma_wait3A_421 : memref<100000x128xf32, #tpu.memory_space<hbm>>) dst(%dma_wait3A_415 : memref<100x128xf32, #tpu.memory_space<vmem>>)
      %dma_wait3A_422 = arith.constant 1 : i32
      %dma_wait3A_423 = arith.constant 1 : i32
      %dma_wait3A_424 = arith.constant 300 : i32
      %dma_wait3A_425 = arith.constant 0 : i32
      %dma_wait3A_426 = tpu.memref_slice %arg12[%dma_wait3A_424, %dma_wait3A_425] : memref<600x128xf32, #tpu.memory_space<vmem>> -> memref<100x128xf32, #tpu.memory_space<vmem>>
      %dma_wait3A_427 = arith.constant 0 : i32
      %dma_wait3A_428 = tpu.memref_slice %arg9[%dma_wait3A_422, %dma_wait3A_423, %dma_wait3A_427] : memref<3x2x100xi32, #tpu.memory_space<vmem>> -> memref<1x1x100xi32, #tpu.memory_space<vmem>>
      %dma_wait3A_429 = tpu.memref_squeeze %dma_wait3A_428 : memref<1x1x100xi32, #tpu.memory_space<vmem>> -> memref<100xi32, #tpu.memory_space<vmem>>
      %dma_wait3A_430 = arith.constant 0 : i32
      %dma_wait3A_431 = arith.constant 0 : i32
      %dma_wait3A_432 = tpu.memref_slice %arg5[%dma_wait3A_430, %dma_wait3A_431] : memref<100000x128xf32, #tpu.memory_space<hbm>> -> memref<100000x128xf32, #tpu.memory_space<hbm>>
      tpu.wait_indirect_dma semaphore(%arg16 : memref<!tpu.dma_semaphore, #tpu.memory_space<semaphore_mem>>) src(%dma_wait3A_432 : memref<100000x128xf32, #tpu.memory_space<hbm>>) dst(%dma_wait3A_426 : memref<100x128xf32, #tpu.memory_space<vmem>>)
      %dma_wait3A_433 = arith.constant 2 : i32
      %dma_wait3A_434 = arith.constant 0 : i32
      %dma_wait3A_435 = arith.constant 400 : i32
      %dma_wait3A_436 = arith.constant 0 : i32
      %dma_wait3A_437 = tpu.memref_slice %arg12[%dma_wait3A_435, %dma_wait3A_436] : memref<600x128xf32, #tpu.memory_space<vmem>> -> memref<100x128xf32, #tpu.memory_space<vmem>>
      %dma_wait3A_438 = arith.constant 0 : i32
      %dma_wait3A_439 = tpu.memref_slice %arg9[%dma_wait3A_433, %dma_wait3A_434, %dma_wait3A_438] : memref<3x2x100xi32, #tpu.memory_space<vmem>> -> memref<1x1x100xi32, #tpu.memory_space<vmem>>
      %dma_wait3A_440 = tpu.memref_squeeze %dma_wait3A_439 : memref<1x1x100xi32, #tpu.memory_space<vmem>> -> memref<100xi32, #tpu.memory_space<vmem>>
      %dma_wait3A_441 = arith.constant 0 : i32
      %dma_wait3A_442 = arith.constant 0 : i32
      %dma_wait3A_443 = tpu.memref_slice %arg6[%dma_wait3A_441, %dma_wait3A_442] : memref<100000x128xf32, #tpu.memory_space<hbm>> -> memref<100000x128xf32, #tpu.memory_space<hbm>>
      tpu.wait_indirect_dma semaphore(%arg16 : memref<!tpu.dma_semaphore, #tpu.memory_space<semaphore_mem>>) src(%dma_wait3A_443 : memref<100000x128xf32, #tpu.memory_space<hbm>>) dst(%dma_wait3A_437 : memref<100x128xf32, #tpu.memory_space<vmem>>)
      %dma_wait3A_444 = arith.constant 2 : i32
      %dma_wait3A_445 = arith.constant 1 : i32
      %dma_wait3A_446 = arith.constant 500 : i32
      %dma_wait3A_447 = arith.constant 0 : i32
      %dma_wait3A_448 = tpu.memref_slice %arg12[%dma_wait3A_446, %dma_wait3A_447] : memref<600x128xf32, #tpu.memory_space<vmem>> -> memref<100x128xf32, #tpu.memory_space<vmem>>
      %dma_wait3A_449 = arith.constant 0 : i32
      %dma_wait3A_450 = tpu.memref_slice %arg9[%dma_wait3A_444, %dma_wait3A_445, %dma_wait3A_449] : memref<3x2x100xi32, #tpu.memory_space<vmem>> -> memref<1x1x100xi32, #tpu.memory_space<vmem>>
      %dma_wait3A_451 = tpu.memref_squeeze %dma_wait3A_450 : memref<1x1x100xi32, #tpu.memory_space<vmem>> -> memref<100xi32, #tpu.memory_space<vmem>>
      %dma_wait3A_452 = arith.constant 0 : i32
      %dma_wait3A_453 = arith.constant 0 : i32
      %dma_wait3A_454 = tpu.memref_slice %arg6[%dma_wait3A_452, %dma_wait3A_453] : memref<100000x128xf32, #tpu.memory_space<hbm>> -> memref<100000x128xf32, #tpu.memory_space<hbm>>
      tpu.wait_indirect_dma semaphore(%arg16 : memref<!tpu.dma_semaphore, #tpu.memory_space<semaphore_mem>>) src(%dma_wait3A_454 : memref<100000x128xf32, #tpu.memory_space<hbm>>) dst(%dma_wait3A_448 : memref<100x128xf32, #tpu.memory_space<vmem>>)
      %get3A_455 = arith.constant 0 : index
      %get3A_456 = tpu.vector_load %arg11[%get3A_455] {strides = array<i32>} : memref<384xf32, #tpu.memory_space<vmem>>, vector<16xf32>,
      %get3A_457 = arith.constant 16 : index
      %get3A_458 = tpu.vector_load %arg11[%get3A_457] {strides = array<i32>} : memref<384xf32, #tpu.memory_space<vmem>>, vector<16xf32>,
      %get3A_459 = arith.constant 32 : index
      %get3A_460 = tpu.vector_load %arg11[%get3A_459] {strides = array<i32>} : memref<384xf32, #tpu.memory_space<vmem>>, vector<16xf32>,
      %get3A_461 = arith.constant 48 : index
      %get3A_462 = tpu.vector_load %arg11[%get3A_461] {strides = array<i32>} : memref<384xf32, #tpu.memory_space<vmem>>, vector<16xf32>,
      %get3A_463 = arith.constant 64 : index
      %get3A_464 = tpu.vector_load %arg11[%get3A_463] {strides = array<i32>} : memref<384xf32, #tpu.memory_space<vmem>>, vector<16xf32>,
      %get3A_465 = arith.constant 80 : index
      %get3A_466 = tpu.vector_load %arg11[%get3A_465] {strides = array<i32>} : memref<384xf32, #tpu.memory_space<vmem>>, vector<16xf32>,
      %get3A_467 = arith.constant 96 : index
      %get3A_468 = tpu.vector_load %arg11[%get3A_467] {strides = array<i32>} : memref<384xf32, #tpu.memory_space<vmem>>, vector<16xf32>,
      %get3A_469 = arith.constant 112 : index
      %get3A_470 = tpu.vector_load %arg11[%get3A_469] {strides = array<i32>} : memref<384xf32, #tpu.memory_space<vmem>>, vector<16xf32>,
      %get3A_471 = arith.constant 128 : index
      %get3A_472 = tpu.vector_load %arg11[%get3A_471] {strides = array<i32>} : memref<384xf32, #tpu.memory_space<vmem>>, vector<16xf32>,
      %get3A_473 = arith.constant 144 : index
      %get3A_474 = tpu.vector_load %arg11[%get3A_473] {strides = array<i32>} : memref<384xf32, #tpu.memory_space<vmem>>, vector<16xf32>,
      %get3A_475 = arith.constant 160 : index
      %get3A_476 = tpu.vector_load %arg11[%get3A_475] {strides = array<i32>} : memref<384xf32, #tpu.memory_space<vmem>>, vector<16xf32>,
      %get3A_477 = arith.constant 176 : index
      %get3A_478 = tpu.vector_load %arg11[%get3A_477] {strides = array<i32>} : memref<384xf32, #tpu.memory_space<vmem>>, vector<16xf32>,
      %get3A_479 = arith.constant 192 : index
      %get3A_480 = tpu.vector_load %arg11[%get3A_479] {strides = array<i32>} : memref<384xf32, #tpu.memory_space<vmem>>, vector<16xf32>,
      %get3A_481 = arith.constant 208 : index
      %get3A_482 = tpu.vector_load %arg11[%get3A_481] {strides = array<i32>} : memref<384xf32, #tpu.memory_space<vmem>>, vector<16xf32>,
      %get3A_483 = arith.constant 224 : index
      %get3A_484 = tpu.vector_load %arg11[%get3A_483] {strides = array<i32>} : memref<384xf32, #tpu.memory_space<vmem>>, vector<16xf32>,
      %get3A_485 = arith.constant 240 : index
      %get3A_486 = tpu.vector_load %arg11[%get3A_485] {strides = array<i32>} : memref<384xf32, #tpu.memory_space<vmem>>, vector<16xf32>,
      %get3A_487 = arith.constant 256 : index
      %get3A_488 = tpu.vector_load %arg11[%get3A_487] {strides = array<i32>} : memref<384xf32, #tpu.memory_space<vmem>>, vector<16xf32>,
      %get3A_489 = arith.constant 272 : index
      %get3A_490 = tpu.vector_load %arg11[%get3A_489] {strides = array<i32>} : memref<384xf32, #tpu.memory_space<vmem>>, vector<16xf32>,
      %get3A_491 = arith.constant 288 : index
      %get3A_492 = tpu.vector_load %arg11[%get3A_491] {strides = array<i32>} : memref<384xf32, #tpu.memory_space<vmem>>, vector<16xf32>,
      %get3A_493 = arith.constant 304 : index
      %get3A_494 = tpu.vector_load %arg11[%get3A_493] {strides = array<i32>} : memref<384xf32, #tpu.memory_space<vmem>>, vector<16xf32>,
      %get3A_495 = arith.constant 320 : index
      %get3A_496 = tpu.vector_load %arg11[%get3A_495] {strides = array<i32>} : memref<384xf32, #tpu.memory_space<vmem>>, vector<16xf32>,
      %get3A_497 = arith.constant 336 : index
      %get3A_498 = tpu.vector_load %arg11[%get3A_497] {strides = array<i32>} : memref<384xf32, #tpu.memory_space<vmem>>, vector<16xf32>,
      %get3A_499 = arith.constant 352 : index
      %get3A_500 = tpu.vector_load %arg11[%get3A_499] {strides = array<i32>} : memref<384xf32, #tpu.memory_space<vmem>>, vector<16xf32>,
      %get3A_501 = arith.constant 368 : index
      %get3A_502 = tpu.vector_load %arg11[%get3A_501] {strides = array<i32>} : memref<384xf32, #tpu.memory_space<vmem>>, vector<16xf32>,
      %convert_element_type3A_503 = arith.extui %lt3A_99 : i1 to i32
      %cond3A_504 = arith.constant 0 : i32
      %cond3A_505 = arith.cmpi ne, %convert_element_type3A_503, %cond3A_504 : i32
      scf.if %cond3A_505 {
        %add3A_550 = arith.constant 2 : i32
        %add3A_551 = arith.addi %add3A_344, %add3A_550 : i32
        %dma_start3A_552 = arith.constant 0 : i32
        %dma_start3A_553 = arith.constant 0 : i32
        %dma_start3A_554 = arith.constant 0 : i32
        %dma_start3A_555 = tpu.memref_slice %arg3[%add3A_551, %dma_start3A_552, %dma_start3A_553, %dma_start3A_554] : memref<1024x3x2x100xi32, #tpu.memory_space<hbm>> -> memref<1x3x2x100xi32, #tpu.memory_space<hbm>>
        %dma_start3A_556 = tpu.memref_squeeze %dma_start3A_555 : memref<1x3x2x100xi32, #tpu.memory_space<hbm>> -> memref<3x2x100xi32, #tpu.memory_space<hbm>>
        %dma_start3A_557 = arith.constant 0 : i32
        %dma_start3A_558 = arith.constant 0 : i32
        %dma_start3A_559 = arith.constant 0 : i32
        %dma_start3A_560 = tpu.memref_slice %arg3[%add3A_551, %dma_start3A_557, %dma_start3A_558, %dma_start3A_559] : memref<1024x3x2x100xi32, #tpu.memory_space<hbm>> -> memref<1x3x2x100xi32, #tpu.memory_space<hbm>>
        %dma_start3A_561 = tpu.memref_squeeze %dma_start3A_560 : memref<1x3x2x100xi32, #tpu.memory_space<hbm>> -> memref<3x2x100xi32, #tpu.memory_space<hbm>>
        tpu.enqueue_dma source(%dma_start3A_561 : memref<3x2x100xi32, #tpu.memory_space<hbm>>) target(%arg9 : memref<3x2x100xi32, #tpu.memory_space<vmem>>) target_semaphore(%arg18 : memref<!tpu.dma_semaphore, #tpu.memory_space<semaphore_mem>>)
        %dma_start3A_562 = arith.constant 0 : i32
        %dma_start3A_563 = tpu.memref_slice %arg2[%add3A_551, %dma_start3A_562] : memref<1024x384xf32, #tpu.memory_space<hbm>> -> memref<1x384xf32, #tpu.memory_space<hbm>>
        %dma_start3A_564 = tpu.memref_squeeze %dma_start3A_563 : memref<1x384xf32, #tpu.memory_space<hbm>> -> memref<384xf32, #tpu.memory_space<hbm>>
        %dma_start3A_565 = arith.constant 0 : i32
        %dma_start3A_566 = tpu.memref_slice %arg2[%add3A_551, %dma_start3A_565] : memref<1024x384xf32, #tpu.memory_space<hbm>> -> memref<1x384xf32, #tpu.memory_space<hbm>>
        %dma_start3A_567 = tpu.memref_squeeze %dma_start3A_566 : memref<1x384xf32, #tpu.memory_space<hbm>> -> memref<384xf32, #tpu.memory_space<hbm>>
        tpu.enqueue_dma source(%dma_start3A_567 : memref<384xf32, #tpu.memory_space<hbm>>) target(%arg11 : memref<384xf32, #tpu.memory_space<vmem>>) target_semaphore(%arg18 : memref<!tpu.dma_semaphore, #tpu.memory_space<semaphore_mem>>)
      } else {
      }
      %convert_element_type3A_506 = arith.extui %gt3A_98 : i1 to i32
      %cond3A_507 = arith.constant 0 : i32
      %cond3A_508 = arith.cmpi ne, %convert_element_type3A_506, %cond3A_507 : i32
      scf.if %cond3A_508 {
        %dma_wait3A_550 = arith.constant 0 : i32
        %dma_wait3A_551 = tpu.memref_slice %arg7[%add3A_344, %dma_wait3A_550] : memref<1024x256xf32, #tpu.memory_space<hbm>> -> memref<1x256xf32, #tpu.memory_space<hbm>>
        %dma_wait3A_552 = tpu.memref_squeeze %dma_wait3A_551 : memref<1x256xf32, #tpu.memory_space<hbm>> -> memref<256xf32, #tpu.memory_space<hbm>>
        %dma_wait3A_553 = arith.constant 0 : i32
        %dma_wait3A_554 = tpu.memref_slice %arg7[%add3A_344, %dma_wait3A_553] : memref<1024x256xf32, #tpu.memory_space<hbm>> -> memref<1x256xf32, #tpu.memory_space<hbm>>
        %dma_wait3A_555 = tpu.memref_squeeze %dma_wait3A_554 : memref<1x256xf32, #tpu.memory_space<hbm>> -> memref<256xf32, #tpu.memory_space<hbm>>
        tpu.wait_dma2 semaphore(%arg20 : memref<!tpu.dma_semaphore, #tpu.memory_space<semaphore_mem>>) src(%arg15 : memref<256xf32, #tpu.memory_space<vmem>>) dst(%dma_wait3A_555 : memref<256xf32, #tpu.memory_space<hbm>>)
      } else {
      }
      %eq3A_509 = arith.constant 0 : i32
      %eq3A_510 = vector.broadcast %eq3A_509 : i32 to vector<16xi32>
      %eq3A_511 = arith.cmpi eq, %iota3A, %eq3A_510 : vector<16xi32>
      %broadcast_in_dim3A_512 = arith.constant 0 : i32
      %broadcast_in_dim3A_513 = vector.broadcast %broadcast_in_dim3A_512 : i32 to vector<16xi32>
      %add3A_514 = arith.constant 8 : i32
      %add3A_515 = vector.broadcast %add3A_514 : i32 to vector<16xi32>
      %add3A_516 = arith.addi %iota3A, %add3A_515 : vector<16xi32>
      %and3A_517 = arith.constant 15 : i32
      %and3A_518 = vector.broadcast %and3A_517 : i32 to vector<16xi32>
      %and3A_519 = arith.andi %add3A_516, %and3A_518 : vector<16xi32>
      %add3A_520 = arith.constant 4 : i32
      %add3A_521 = vector.broadcast %add3A_520 : i32 to vector<16xi32>
      %add3A_522 = arith.addi %iota3A, %add3A_521 : vector<16xi32>
      %and3A_523 = arith.constant 15 : i32
      %and3A_524 = vector.broadcast %and3A_523 : i32 to vector<16xi32>
      %and3A_525 = arith.andi %add3A_522, %and3A_524 : vector<16xi32>
      %add3A_526 = arith.constant 2 : i32
      %add3A_527 = vector.broadcast %add3A_526 : i32 to vector<16xi32>
      %add3A_528 = arith.addi %iota3A, %add3A_527 : vector<16xi32>
      %and3A_529 = arith.constant 15 : i32
      %and3A_530 = vector.broadcast %and3A_529 : i32 to vector<16xi32>
      %and3A_531 = arith.andi %add3A_528, %and3A_530 : vector<16xi32>
      %add3A_532 = arith.constant 1 : i32
      %add3A_533 = vector.broadcast %add3A_532 : i32 to vector<16xi32>
      %add3A_534 = arith.addi %iota3A, %add3A_533 : vector<16xi32>
      %and3A_535 = arith.constant 15 : i32
      %and3A_536 = vector.broadcast %and3A_535 : i32 to vector<16xi32>
      %and3A_537 = arith.andi %add3A_534, %and3A_536 : vector<16xi32>
      %parallel_loop3A_538 = arith.constant 0 : i32
      %parallel_loop3A_539 = arith.constant 200 : i32
      %parallel_loop3A_540 = arith.constant 1 : i32
      scf.for %parallel_loop3A_550 = %parallel_loop3A_538 to %parallel_loop3A_539 step %parallel_loop3A_540  : i32 {
        %parallel_loop3A_551 = arith.constant 0 : i32
        %parallel_loop3A_552 = arith.addi %parallel_loop3A_551, %parallel_loop3A_550 : i32
        %parallel_loop3A_553 = arith.index_cast %parallel_loop3A_552 : i32 to index
        %parallel_loop3A_554 = arith.constant 0 : index
        %parallel_loop3A_555 = tpu.vector_load %arg13[%parallel_loop3A_553, %parallel_loop3A_554] {strides = array<i32>} : memref<200x128xf32, #tpu.memory_space<vmem>>, vector<16xf32>,
        %parallel_loop3A_556 = arith.mulf %parallel_loop3A_555, %get3A_456 : vector<16xf32>
        %parallel_loop3A_557 = arith.constant 0 : i32
        %parallel_loop3A_558 = arith.addi %parallel_loop3A_557, %parallel_loop3A_550 : i32
        %parallel_loop3A_559 = arith.index_cast %parallel_loop3A_558 : i32 to index
        %parallel_loop3A_560 = arith.constant 16 : index
        %parallel_loop3A_561 = tpu.vector_load %arg13[%parallel_loop3A_559, %parallel_loop3A_560] {strides = array<i32>} : memref<200x128xf32, #tpu.memory_space<vmem>>, vector<16xf32>,
        %parallel_loop3A_562 = arith.mulf %parallel_loop3A_561, %get3A_458 : vector<16xf32>
        %parallel_loop3A_563 = arith.constant 0 : i32
        %parallel_loop3A_564 = arith.addi %parallel_loop3A_563, %parallel_loop3A_550 : i32
        %parallel_loop3A_565 = arith.index_cast %parallel_loop3A_564 : i32 to index
        %parallel_loop3A_566 = arith.constant 32 : index
        %parallel_loop3A_567 = tpu.vector_load %arg13[%parallel_loop3A_565, %parallel_loop3A_566] {strides = array<i32>} : memref<200x128xf32, #tpu.memory_space<vmem>>, vector<16xf32>,
        %parallel_loop3A_568 = arith.mulf %parallel_loop3A_567, %get3A_460 : vector<16xf32>
        %parallel_loop3A_569 = arith.constant 0 : i32
        %parallel_loop3A_570 = arith.addi %parallel_loop3A_569, %parallel_loop3A_550 : i32
        %parallel_loop3A_571 = arith.index_cast %parallel_loop3A_570 : i32 to index
        %parallel_loop3A_572 = arith.constant 48 : index
        %parallel_loop3A_573 = tpu.vector_load %arg13[%parallel_loop3A_571, %parallel_loop3A_572] {strides = array<i32>} : memref<200x128xf32, #tpu.memory_space<vmem>>, vector<16xf32>,
        %parallel_loop3A_574 = arith.mulf %parallel_loop3A_573, %get3A_462 : vector<16xf32>
        %parallel_loop3A_575 = arith.constant 0 : i32
        %parallel_loop3A_576 = arith.addi %parallel_loop3A_575, %parallel_loop3A_550 : i32
        %parallel_loop3A_577 = arith.index_cast %parallel_loop3A_576 : i32 to index
        %parallel_loop3A_578 = arith.constant 64 : index
        %parallel_loop3A_579 = tpu.vector_load %arg13[%parallel_loop3A_577, %parallel_loop3A_578] {strides = array<i32>} : memref<200x128xf32, #tpu.memory_space<vmem>>, vector<16xf32>,
        %parallel_loop3A_580 = arith.mulf %parallel_loop3A_579, %get3A_464 : vector<16xf32>
        %parallel_loop3A_581 = arith.addf %parallel_loop3A_556, %parallel_loop3A_580 : vector<16xf32>
        %parallel_loop3A_582 = arith.constant 0 : i32
        %parallel_loop3A_583 = arith.addi %parallel_loop3A_582, %parallel_loop3A_550 : i32
        %parallel_loop3A_584 = arith.index_cast %parallel_loop3A_583 : i32 to index
        %parallel_loop3A_585 = arith.constant 80 : index
        %parallel_loop3A_586 = tpu.vector_load %arg13[%parallel_loop3A_584, %parallel_loop3A_585] {strides = array<i32>} : memref<200x128xf32, #tpu.memory_space<vmem>>, vector<16xf32>,
        %parallel_loop3A_587 = arith.mulf %parallel_loop3A_586, %get3A_466 : vector<16xf32>
        %parallel_loop3A_588 = arith.addf %parallel_loop3A_562, %parallel_loop3A_587 : vector<16xf32>
        %parallel_loop3A_589 = arith.constant 0 : i32
        %parallel_loop3A_590 = arith.addi %parallel_loop3A_589, %parallel_loop3A_550 : i32
        %parallel_loop3A_591 = arith.index_cast %parallel_loop3A_590 : i32 to index
        %parallel_loop3A_592 = arith.constant 96 : index
        %parallel_loop3A_593 = tpu.vector_load %arg13[%parallel_loop3A_591, %parallel_loop3A_592] {strides = array<i32>} : memref<200x128xf32, #tpu.memory_space<vmem>>, vector<16xf32>,
        %parallel_loop3A_594 = arith.mulf %parallel_loop3A_593, %get3A_468 : vector<16xf32>
        %parallel_loop3A_595 = arith.addf %parallel_loop3A_568, %parallel_loop3A_594 : vector<16xf32>
        %parallel_loop3A_596 = arith.constant 0 : i32
        %parallel_loop3A_597 = arith.addi %parallel_loop3A_596, %parallel_loop3A_550 : i32
        %parallel_loop3A_598 = arith.index_cast %parallel_loop3A_597 : i32 to index
        %parallel_loop3A_599 = arith.constant 112 : index
        %parallel_loop3A_600 = tpu.vector_load %arg13[%parallel_loop3A_598, %parallel_loop3A_599] {strides = array<i32>} : memref<200x128xf32, #tpu.memory_space<vmem>>, vector<16xf32>,
        %parallel_loop3A_601 = arith.mulf %parallel_loop3A_600, %get3A_470 : vector<16xf32>
        %parallel_loop3A_602 = arith.addf %parallel_loop3A_574, %parallel_loop3A_601 : vector<16xf32>
        %parallel_loop3A_603 = arith.constant 200 : i32
        %parallel_loop3A_604 = arith.addi %parallel_loop3A_603, %parallel_loop3A_550 : i32
        %parallel_loop3A_605 = arith.index_cast %parallel_loop3A_604 : i32 to index
        %parallel_loop3A_606 = arith.constant 0 : index
        %parallel_loop3A_607 = tpu.vector_load %arg12[%parallel_loop3A_605, %parallel_loop3A_606] {strides = array<i32>} : memref<600x128xf32, #tpu.memory_space<vmem>>, vector<16xf32>,
        %parallel_loop3A_608 = arith.mulf %parallel_loop3A_607, %get3A_472 : vector<16xf32>
        %parallel_loop3A_609 = arith.addf %parallel_loop3A_581, %parallel_loop3A_608 : vector<16xf32>
        %parallel_loop3A_610 = arith.constant 200 : i32
        %parallel_loop3A_611 = arith.addi %parallel_loop3A_610, %parallel_loop3A_550 : i32
        %parallel_loop3A_612 = arith.index_cast %parallel_loop3A_611 : i32 to index
        %parallel_loop3A_613 = arith.constant 16 : index
        %parallel_loop3A_614 = tpu.vector_load %arg12[%parallel_loop3A_612, %parallel_loop3A_613] {strides = array<i32>} : memref<600x128xf32, #tpu.memory_space<vmem>>, vector<16xf32>,
        %parallel_loop3A_615 = arith.mulf %parallel_loop3A_614, %get3A_474 : vector<16xf32>
        %parallel_loop3A_616 = arith.addf %parallel_loop3A_588, %parallel_loop3A_615 : vector<16xf32>
        %parallel_loop3A_617 = arith.constant 200 : i32
        %parallel_loop3A_618 = arith.addi %parallel_loop3A_617, %parallel_loop3A_550 : i32
        %parallel_loop3A_619 = arith.index_cast %parallel_loop3A_618 : i32 to index
        %parallel_loop3A_620 = arith.constant 32 : index
        %parallel_loop3A_621 = tpu.vector_load %arg12[%parallel_loop3A_619, %parallel_loop3A_620] {strides = array<i32>} : memref<600x128xf32, #tpu.memory_space<vmem>>, vector<16xf32>,
        %parallel_loop3A_622 = arith.mulf %parallel_loop3A_621, %get3A_476 : vector<16xf32>
        %parallel_loop3A_623 = arith.addf %parallel_loop3A_595, %parallel_loop3A_622 : vector<16xf32>
        %parallel_loop3A_624 = arith.constant 200 : i32
        %parallel_loop3A_625 = arith.addi %parallel_loop3A_624, %parallel_loop3A_550 : i32
        %parallel_loop3A_626 = arith.index_cast %parallel_loop3A_625 : i32 to index
        %parallel_loop3A_627 = arith.constant 48 : index
        %parallel_loop3A_628 = tpu.vector_load %arg12[%parallel_loop3A_626, %parallel_loop3A_627] {strides = array<i32>} : memref<600x128xf32, #tpu.memory_space<vmem>>, vector<16xf32>,
        %parallel_loop3A_629 = arith.mulf %parallel_loop3A_628, %get3A_478 : vector<16xf32>
        %parallel_loop3A_630 = arith.addf %parallel_loop3A_602, %parallel_loop3A_629 : vector<16xf32>
        %parallel_loop3A_631 = arith.constant 200 : i32
        %parallel_loop3A_632 = arith.addi %parallel_loop3A_631, %parallel_loop3A_550 : i32
        %parallel_loop3A_633 = arith.index_cast %parallel_loop3A_632 : i32 to index
        %parallel_loop3A_634 = arith.constant 64 : index
        %parallel_loop3A_635 = tpu.vector_load %arg12[%parallel_loop3A_633, %parallel_loop3A_634] {strides = array<i32>} : memref<600x128xf32, #tpu.memory_space<vmem>>, vector<16xf32>,
        %parallel_loop3A_636 = arith.mulf %parallel_loop3A_635, %get3A_480 : vector<16xf32>
        %parallel_loop3A_637 = arith.addf %parallel_loop3A_609, %parallel_loop3A_636 : vector<16xf32>
        %parallel_loop3A_638 = arith.constant 200 : i32
        %parallel_loop3A_639 = arith.addi %parallel_loop3A_638, %parallel_loop3A_550 : i32
        %parallel_loop3A_640 = arith.index_cast %parallel_loop3A_639 : i32 to index
        %parallel_loop3A_641 = arith.constant 80 : index
        %parallel_loop3A_642 = tpu.vector_load %arg12[%parallel_loop3A_640, %parallel_loop3A_641] {strides = array<i32>} : memref<600x128xf32, #tpu.memory_space<vmem>>, vector<16xf32>,
        %parallel_loop3A_643 = arith.mulf %parallel_loop3A_642, %get3A_482 : vector<16xf32>
        %parallel_loop3A_644 = arith.addf %parallel_loop3A_616, %parallel_loop3A_643 : vector<16xf32>
        %parallel_loop3A_645 = arith.constant 200 : i32
        %parallel_loop3A_646 = arith.addi %parallel_loop3A_645, %parallel_loop3A_550 : i32
        %parallel_loop3A_647 = arith.index_cast %parallel_loop3A_646 : i32 to index
        %parallel_loop3A_648 = arith.constant 96 : index
        %parallel_loop3A_649 = tpu.vector_load %arg12[%parallel_loop3A_647, %parallel_loop3A_648] {strides = array<i32>} : memref<600x128xf32, #tpu.memory_space<vmem>>, vector<16xf32>,
        %parallel_loop3A_650 = arith.mulf %parallel_loop3A_649, %get3A_484 : vector<16xf32>
        %parallel_loop3A_651 = arith.addf %parallel_loop3A_623, %parallel_loop3A_650 : vector<16xf32>
        %parallel_loop3A_652 = arith.constant 200 : i32
        %parallel_loop3A_653 = arith.addi %parallel_loop3A_652, %parallel_loop3A_550 : i32
        %parallel_loop3A_654 = arith.index_cast %parallel_loop3A_653 : i32 to index
        %parallel_loop3A_655 = arith.constant 112 : index
        %parallel_loop3A_656 = tpu.vector_load %arg12[%parallel_loop3A_654, %parallel_loop3A_655] {strides = array<i32>} : memref<600x128xf32, #tpu.memory_space<vmem>>, vector<16xf32>,
        %parallel_loop3A_657 = arith.mulf %parallel_loop3A_656, %get3A_486 : vector<16xf32>
        %parallel_loop3A_658 = arith.addf %parallel_loop3A_630, %parallel_loop3A_657 : vector<16xf32>
        %parallel_loop3A_659 = arith.constant 400 : i32
        %parallel_loop3A_660 = arith.addi %parallel_loop3A_659, %parallel_loop3A_550 : i32
        %parallel_loop3A_661 = arith.index_cast %parallel_loop3A_660 : i32 to index
        %parallel_loop3A_662 = arith.constant 0 : index
        %parallel_loop3A_663 = tpu.vector_load %arg12[%parallel_loop3A_661, %parallel_loop3A_662] {strides = array<i32>} : memref<600x128xf32, #tpu.memory_space<vmem>>, vector<16xf32>,
        %parallel_loop3A_664 = arith.mulf %parallel_loop3A_663, %get3A_488 : vector<16xf32>
        %parallel_loop3A_665 = arith.addf %parallel_loop3A_637, %parallel_loop3A_664 : vector<16xf32>
        %parallel_loop3A_666 = arith.constant 400 : i32
        %parallel_loop3A_667 = arith.addi %parallel_loop3A_666, %parallel_loop3A_550 : i32
        %parallel_loop3A_668 = arith.index_cast %parallel_loop3A_667 : i32 to index
        %parallel_loop3A_669 = arith.constant 16 : index
        %parallel_loop3A_670 = tpu.vector_load %arg12[%parallel_loop3A_668, %parallel_loop3A_669] {strides = array<i32>} : memref<600x128xf32, #tpu.memory_space<vmem>>, vector<16xf32>,
        %parallel_loop3A_671 = arith.mulf %parallel_loop3A_670, %get3A_490 : vector<16xf32>
        %parallel_loop3A_672 = arith.addf %parallel_loop3A_644, %parallel_loop3A_671 : vector<16xf32>
        %parallel_loop3A_673 = arith.constant 400 : i32
        %parallel_loop3A_674 = arith.addi %parallel_loop3A_673, %parallel_loop3A_550 : i32
        %parallel_loop3A_675 = arith.index_cast %parallel_loop3A_674 : i32 to index
        %parallel_loop3A_676 = arith.constant 32 : index
        %parallel_loop3A_677 = tpu.vector_load %arg12[%parallel_loop3A_675, %parallel_loop3A_676] {strides = array<i32>} : memref<600x128xf32, #tpu.memory_space<vmem>>, vector<16xf32>,
        %parallel_loop3A_678 = arith.mulf %parallel_loop3A_677, %get3A_492 : vector<16xf32>
        %parallel_loop3A_679 = arith.addf %parallel_loop3A_651, %parallel_loop3A_678 : vector<16xf32>
        %parallel_loop3A_680 = arith.constant 400 : i32
        %parallel_loop3A_681 = arith.addi %parallel_loop3A_680, %parallel_loop3A_550 : i32
        %parallel_loop3A_682 = arith.index_cast %parallel_loop3A_681 : i32 to index
        %parallel_loop3A_683 = arith.constant 48 : index
        %parallel_loop3A_684 = tpu.vector_load %arg12[%parallel_loop3A_682, %parallel_loop3A_683] {strides = array<i32>} : memref<600x128xf32, #tpu.memory_space<vmem>>, vector<16xf32>,
        %parallel_loop3A_685 = arith.mulf %parallel_loop3A_684, %get3A_494 : vector<16xf32>
        %parallel_loop3A_686 = arith.addf %parallel_loop3A_658, %parallel_loop3A_685 : vector<16xf32>
        %parallel_loop3A_687 = arith.constant 400 : i32
        %parallel_loop3A_688 = arith.addi %parallel_loop3A_687, %parallel_loop3A_550 : i32
        %parallel_loop3A_689 = arith.index_cast %parallel_loop3A_688 : i32 to index
        %parallel_loop3A_690 = arith.constant 64 : index
        %parallel_loop3A_691 = tpu.vector_load %arg12[%parallel_loop3A_689, %parallel_loop3A_690] {strides = array<i32>} : memref<600x128xf32, #tpu.memory_space<vmem>>, vector<16xf32>,
        %parallel_loop3A_692 = arith.mulf %parallel_loop3A_691, %get3A_496 : vector<16xf32>
        %parallel_loop3A_693 = arith.addf %parallel_loop3A_665, %parallel_loop3A_692 : vector<16xf32>
        %parallel_loop3A_694 = arith.constant 400 : i32
        %parallel_loop3A_695 = arith.addi %parallel_loop3A_694, %parallel_loop3A_550 : i32
        %parallel_loop3A_696 = arith.index_cast %parallel_loop3A_695 : i32 to index
        %parallel_loop3A_697 = arith.constant 80 : index
        %parallel_loop3A_698 = tpu.vector_load %arg12[%parallel_loop3A_696, %parallel_loop3A_697] {strides = array<i32>} : memref<600x128xf32, #tpu.memory_space<vmem>>, vector<16xf32>,
        %parallel_loop3A_699 = arith.mulf %parallel_loop3A_698, %get3A_498 : vector<16xf32>
        %parallel_loop3A_700 = arith.addf %parallel_loop3A_672, %parallel_loop3A_699 : vector<16xf32>
        %parallel_loop3A_701 = arith.constant 400 : i32
        %parallel_loop3A_702 = arith.addi %parallel_loop3A_701, %parallel_loop3A_550 : i32
        %parallel_loop3A_703 = arith.index_cast %parallel_loop3A_702 : i32 to index
        %parallel_loop3A_704 = arith.constant 96 : index
        %parallel_loop3A_705 = tpu.vector_load %arg12[%parallel_loop3A_703, %parallel_loop3A_704] {strides = array<i32>} : memref<600x128xf32, #tpu.memory_space<vmem>>, vector<16xf32>,
        %parallel_loop3A_706 = arith.mulf %parallel_loop3A_705, %get3A_500 : vector<16xf32>
        %parallel_loop3A_707 = arith.addf %parallel_loop3A_679, %parallel_loop3A_706 : vector<16xf32>
        %parallel_loop3A_708 = arith.constant 400 : i32
        %parallel_loop3A_709 = arith.addi %parallel_loop3A_708, %parallel_loop3A_550 : i32
        %parallel_loop3A_710 = arith.index_cast %parallel_loop3A_709 : i32 to index
        %parallel_loop3A_711 = arith.constant 112 : index
        %parallel_loop3A_712 = tpu.vector_load %arg12[%parallel_loop3A_710, %parallel_loop3A_711] {strides = array<i32>} : memref<600x128xf32, #tpu.memory_space<vmem>>, vector<16xf32>,
        %parallel_loop3A_713 = arith.mulf %parallel_loop3A_712, %get3A_502 : vector<16xf32>
        %parallel_loop3A_714 = arith.addf %parallel_loop3A_686, %parallel_loop3A_713 : vector<16xf32>
        %parallel_loop3A_715 = arith.addf %parallel_loop3A_693, %parallel_loop3A_700 : vector<16xf32>
        %parallel_loop3A_716 = arith.addf %parallel_loop3A_707, %parallel_loop3A_714 : vector<16xf32>
        %parallel_loop3A_717 = arith.addf %parallel_loop3A_715, %parallel_loop3A_716 : vector<16xf32>
        %parallel_loop3A_718 = vector.shape_cast %and3A_519 : vector<16xi32> to vector<16x1xi32>
        %parallel_loop3A_719 = vector.shape_cast %parallel_loop3A_718 : vector<16x1xi32> to vector<16xi32>
        %parallel_loop3A_720 = tpu.dynamic_gather %parallel_loop3A_717[%parallel_loop3A_719] in [0] : vector<16xf32>, vector<16xi32> -> vector<16xf32>
        %parallel_loop3A_721 = arith.addf %parallel_loop3A_717, %parallel_loop3A_720 : vector<16xf32>
        %parallel_loop3A_722 = vector.shape_cast %and3A_525 : vector<16xi32> to vector<16x1xi32>
        %parallel_loop3A_723 = vector.shape_cast %parallel_loop3A_722 : vector<16x1xi32> to vector<16xi32>
        %parallel_loop3A_724 = tpu.dynamic_gather %parallel_loop3A_721[%parallel_loop3A_723] in [0] : vector<16xf32>, vector<16xi32> -> vector<16xf32>
        %parallel_loop3A_725 = arith.addf %parallel_loop3A_721, %parallel_loop3A_724 : vector<16xf32>
        %parallel_loop3A_726 = vector.shape_cast %and3A_531 : vector<16xi32> to vector<16x1xi32>
        %parallel_loop3A_727 = vector.shape_cast %parallel_loop3A_726 : vector<16x1xi32> to vector<16xi32>
        %parallel_loop3A_728 = tpu.dynamic_gather %parallel_loop3A_725[%parallel_loop3A_727] in [0] : vector<16xf32>, vector<16xi32> -> vector<16xf32>
        %parallel_loop3A_729 = arith.addf %parallel_loop3A_725, %parallel_loop3A_728 : vector<16xf32>
        %parallel_loop3A_730 = vector.shape_cast %and3A_537 : vector<16xi32> to vector<16x1xi32>
        %parallel_loop3A_731 = vector.shape_cast %parallel_loop3A_730 : vector<16x1xi32> to vector<16xi32>
        %parallel_loop3A_732 = tpu.dynamic_gather %parallel_loop3A_729[%parallel_loop3A_731] in [0] : vector<16xf32>, vector<16xi32> -> vector<16xf32>
        %parallel_loop3A_733 = arith.addf %parallel_loop3A_729, %parallel_loop3A_732 : vector<16xf32>
        %parallel_loop3A_734 = vector.broadcast %parallel_loop3A_550 : i32 to vector<16xi32>
        %parallel_loop3A_735 = arith.addi %parallel_loop3A_734, %broadcast_in_dim3A_513 : vector<16xi32>
        tpu.vector_store_idx %arg15[%parallel_loop3A_735], %parallel_loop3A_733 masked %eq3A_511 : memref<256xf32, #tpu.memory_space<vmem>>[vector<16xi32>], vector<16xf32>, vector<16xi1>
      } {sc.loop_unroll_factor = 2 : i64, sc.parallel_access}
      %convert_element_type3A_541 = arith.extui %lt3A_99 : i1 to i32
      %cond3A_542 = arith.constant 0 : i32
      %cond3A_543 = arith.cmpi ne, %convert_element_type3A_541, %cond3A_542 : i32
      scf.if %cond3A_543 {
        %add3A_550 = arith.constant 2 : i32
        %add3A_551 = arith.addi %add3A_344, %add3A_550 : i32
        %dma_wait3A_552 = arith.constant 0 : i32
        %dma_wait3A_553 = arith.constant 0 : i32
        %dma_wait3A_554 = arith.constant 0 : i32
        %dma_wait3A_555 = tpu.memref_slice %arg3[%add3A_551, %dma_wait3A_552, %dma_wait3A_553, %dma_wait3A_554] : memref<1024x3x2x100xi32, #tpu.memory_space<hbm>> -> memref<1x3x2x100xi32, #tpu.memory_space<hbm>>
        %dma_wait3A_556 = tpu.memref_squeeze %dma_wait3A_555 : memref<1x3x2x100xi32, #tpu.memory_space<hbm>> -> memref<3x2x100xi32, #tpu.memory_space<hbm>>
        %dma_wait3A_557 = arith.constant 0 : i32
        %dma_wait3A_558 = arith.constant 0 : i32
        %dma_wait3A_559 = arith.constant 0 : i32
        %dma_wait3A_560 = tpu.memref_slice %arg3[%add3A_551, %dma_wait3A_557, %dma_wait3A_558, %dma_wait3A_559] : memref<1024x3x2x100xi32, #tpu.memory_space<hbm>> -> memref<1x3x2x100xi32, #tpu.memory_space<hbm>>
        %dma_wait3A_561 = tpu.memref_squeeze %dma_wait3A_560 : memref<1x3x2x100xi32, #tpu.memory_space<hbm>> -> memref<3x2x100xi32, #tpu.memory_space<hbm>>
        tpu.wait_dma2 semaphore(%arg17 : memref<!tpu.dma_semaphore, #tpu.memory_space<semaphore_mem>>) src(%dma_wait3A_561 : memref<3x2x100xi32, #tpu.memory_space<hbm>>) dst(%arg8 : memref<3x2x100xi32, #tpu.memory_space<vmem>>)
        %dma_wait3A_562 = arith.constant 0 : i32
        %dma_wait3A_563 = tpu.memref_slice %arg2[%add3A_551, %dma_wait3A_562] : memref<1024x384xf32, #tpu.memory_space<hbm>> -> memref<1x384xf32, #tpu.memory_space<hbm>>
        %dma_wait3A_564 = tpu.memref_squeeze %dma_wait3A_563 : memref<1x384xf32, #tpu.memory_space<hbm>> -> memref<384xf32, #tpu.memory_space<hbm>>
        %dma_wait3A_565 = arith.constant 0 : i32
        %dma_wait3A_566 = tpu.memref_slice %arg2[%add3A_551, %dma_wait3A_565] : memref<1024x384xf32, #tpu.memory_space<hbm>> -> memref<1x384xf32, #tpu.memory_space<hbm>>
        %dma_wait3A_567 = tpu.memref_squeeze %dma_wait3A_566 : memref<1x384xf32, #tpu.memory_space<hbm>> -> memref<384xf32, #tpu.memory_space<hbm>>
        tpu.wait_dma2 semaphore(%arg17 : memref<!tpu.dma_semaphore, #tpu.memory_space<semaphore_mem>>) src(%dma_wait3A_567 : memref<384xf32, #tpu.memory_space<hbm>>) dst(%arg10 : memref<384xf32, #tpu.memory_space<vmem>>)
        %dma_start3A_568 = arith.constant 0 : i32
        %dma_start3A_569 = arith.constant 0 : i32
        %dma_start3A_570 = arith.constant 0 : i32
        %dma_start3A_571 = arith.constant 0 : i32
        %dma_start3A_572 = tpu.memref_slice %arg12[%dma_start3A_570, %dma_start3A_571] : memref<600x128xf32, #tpu.memory_space<vmem>> -> memref<100x128xf32, #tpu.memory_space<vmem>>
        %dma_start3A_573 = arith.constant 0 : i32
        %dma_start3A_574 = tpu.memref_slice %arg8[%dma_start3A_568, %dma_start3A_569, %dma_start3A_573] : memref<3x2x100xi32, #tpu.memory_space<vmem>> -> memref<1x1x100xi32, #tpu.memory_space<vmem>>
        %dma_start3A_575 = tpu.memref_squeeze %dma_start3A_574 : memref<1x1x100xi32, #tpu.memory_space<vmem>> -> memref<100xi32, #tpu.memory_space<vmem>>
        %dma_start3A_576 = arith.constant 0 : i32
        %dma_start3A_577 = arith.constant 0 : i32
        %dma_start3A_578 = tpu.memref_slice %arg4[%dma_start3A_576, %dma_start3A_577] : memref<1000x128xf32, #tpu.memory_space<hbm>> -> memref<1000x128xf32, #tpu.memory_space<hbm>>
        tpu.enqueue_indirect_dma source(%dma_start3A_578 : memref<1000x128xf32, #tpu.memory_space<hbm>>) target(%dma_start3A_572 : memref<100x128xf32, #tpu.memory_space<vmem>>) offsets(%dma_start3A_575 : memref<100xi32, #tpu.memory_space<vmem>>) semaphore(%arg16 : memref<!tpu.dma_semaphore, #tpu.memory_space<semaphore_mem>>)
        %dma_start3A_579 = arith.constant 0 : i32
        %dma_start3A_580 = arith.constant 1 : i32
        %dma_start3A_581 = arith.constant 100 : i32
        %dma_start3A_582 = arith.constant 0 : i32
        %dma_start3A_583 = tpu.memref_slice %arg12[%dma_start3A_581, %dma_start3A_582] : memref<600x128xf32, #tpu.memory_space<vmem>> -> memref<100x128xf32, #tpu.memory_space<vmem>>
        %dma_start3A_584 = arith.constant 0 : i32
        %dma_start3A_585 = tpu.memref_slice %arg8[%dma_start3A_579, %dma_start3A_580, %dma_start3A_584] : memref<3x2x100xi32, #tpu.memory_space<vmem>> -> memref<1x1x100xi32, #tpu.memory_space<vmem>>
        %dma_start3A_586 = tpu.memref_squeeze %dma_start3A_585 : memref<1x1x100xi32, #tpu.memory_space<vmem>> -> memref<100xi32, #tpu.memory_space<vmem>>
        %dma_start3A_587 = arith.constant 0 : i32
        %dma_start3A_588 = arith.constant 0 : i32
        %dma_start3A_589 = tpu.memref_slice %arg4[%dma_start3A_587, %dma_start3A_588] : memref<1000x128xf32, #tpu.memory_space<hbm>> -> memref<1000x128xf32, #tpu.memory_space<hbm>>
        tpu.enqueue_indirect_dma source(%dma_start3A_589 : memref<1000x128xf32, #tpu.memory_space<hbm>>) target(%dma_start3A_583 : memref<100x128xf32, #tpu.memory_space<vmem>>) offsets(%dma_start3A_586 : memref<100xi32, #tpu.memory_space<vmem>>) semaphore(%arg16 : memref<!tpu.dma_semaphore, #tpu.memory_space<semaphore_mem>>)
      } else {
      }
      %dma_start3A_544 = arith.constant 0 : i32
      %dma_start3A_545 = tpu.memref_slice %arg7[%add3A_344, %dma_start3A_544] : memref<1024x256xf32, #tpu.memory_space<hbm>> -> memref<1x256xf32, #tpu.memory_space<hbm>>
      %dma_start3A_546 = tpu.memref_squeeze %dma_start3A_545 : memref<1x256xf32, #tpu.memory_space<hbm>> -> memref<256xf32, #tpu.memory_space<hbm>>
      %dma_start3A_547 = arith.constant 0 : i32
      %dma_start3A_548 = tpu.memref_slice %arg7[%add3A_344, %dma_start3A_547] : memref<1024x256xf32, #tpu.memory_space<hbm>> -> memref<1x256xf32, #tpu.memory_space<hbm>>
      %dma_start3A_549 = tpu.memref_squeeze %dma_start3A_548 : memref<1x256xf32, #tpu.memory_space<hbm>> -> memref<256xf32, #tpu.memory_space<hbm>>
      tpu.enqueue_dma source(%arg15 : memref<256xf32, #tpu.memory_space<vmem>>) target(%dma_start3A_549 : memref<256xf32, #tpu.memory_space<hbm>>) target_semaphore(%arg20 : memref<!tpu.dma_semaphore, #tpu.memory_space<semaphore_mem>>)
    }
    %scan3A_77 = arith.constant 16 : i32
    %add3A_78 = arith.constant 32 : i32
    %add3A_79 = arith.addi %mul3A_2, %add3A_78 : i32
    %sub3A = arith.constant 2 : i32
    %sub3A_80 = arith.subi %add3A_79, %sub3A : i32
    %dma_wait3A_81 = arith.constant 0 : i32
    %dma_wait3A_82 = tpu.memref_slice %arg7[%sub3A_80, %dma_wait3A_81] : memref<1024x256xf32, #tpu.memory_space<hbm>> -> memref<1x256xf32, #tpu.memory_space<hbm>>
    %dma_wait3A_83 = tpu.memref_squeeze %dma_wait3A_82 : memref<1x256xf32, #tpu.memory_space<hbm>> -> memref<256xf32, #tpu.memory_space<hbm>>
    %dma_wait3A_84 = arith.constant 0 : i32
    %dma_wait3A_85 = tpu.memref_slice %arg7[%sub3A_80, %dma_wait3A_84] : memref<1024x256xf32, #tpu.memory_space<hbm>> -> memref<1x256xf32, #tpu.memory_space<hbm>>
    %dma_wait3A_86 = tpu.memref_squeeze %dma_wait3A_85 : memref<1x256xf32, #tpu.memory_space<hbm>> -> memref<256xf32, #tpu.memory_space<hbm>>
    tpu.wait_dma2 semaphore(%arg19 : memref<!tpu.dma_semaphore, #tpu.memory_space<semaphore_mem>>) src(%arg14 : memref<256xf32, #tpu.memory_space<vmem>>) dst(%dma_wait3A_86 : memref<256xf32, #tpu.memory_space<hbm>>)
    %add3A_87 = arith.constant 32 : i32
    %add3A_88 = arith.addi %mul3A_2, %add3A_87 : i32
    %sub3A_89 = arith.constant 1 : i32
    %sub3A_90 = arith.subi %add3A_88, %sub3A_89 : i32
    %dma_wait3A_91 = arith.constant 0 : i32
    %dma_wait3A_92 = tpu.memref_slice %arg7[%sub3A_90, %dma_wait3A_91] : memref<1024x256xf32, #tpu.memory_space<hbm>> -> memref<1x256xf32, #tpu.memory_space<hbm>>
    %dma_wait3A_93 = tpu.memref_squeeze %dma_wait3A_92 : memref<1x256xf32, #tpu.memory_space<hbm>> -> memref<256xf32, #tpu.memory_space<hbm>>
    %dma_wait3A_94 = arith.constant 0 : i32
    %dma_wait3A_95 = tpu.memref_slice %arg7[%sub3A_90, %dma_wait3A_94] : memref<1024x256xf32, #tpu.memory_space<hbm>> -> memref<1x256xf32, #tpu.memory_space<hbm>>
    %dma_wait3A_96 = tpu.memref_squeeze %dma_wait3A_95 : memref<1x256xf32, #tpu.memory_space<hbm>> -> memref<256xf32, #tpu.memory_space<hbm>>
    tpu.wait_dma2 semaphore(%arg20 : memref<!tpu.dma_semaphore, #tpu.memory_space<semaphore_mem>>) src(%arg15 : memref<256xf32, #tpu.memory_space<vmem>>) dst(%dma_wait3A_96 : memref<256xf32, #tpu.memory_space<hbm>>)
    return
  }
}

module attributes {stable_mosaic.version = 14 : i64} {
  func.func @_mlp_body(%arg0: memref<1024x128xf32, #tpu.memory_space<vmem>>, %arg1: memref<384x128xf32, #tpu.memory_space<vmem>>, %arg2: memref<1x384xf32, #tpu.memory_space<vmem>>, %arg3: memref<384x384xf32, #tpu.memory_space<vmem>>, %arg4: memref<1x384xf32, #tpu.memory_space<vmem>>, %arg5: memref<1024x384xf32, #tpu.memory_space<vmem>>) attributes {dimension_semantics = [], scalar_prefetch = 0 : i64, scratch_operands = 0 : i64, tpu.core_type = #tpu.core_type<tc>} {
    %get3A = arith.constant 0 : index
    %get3A_0 = arith.constant 0 : index
    %get3A_1 = vector.load %arg0[%get3A, %get3A_0] : memref<1024x128xf32, #tpu.memory_space<vmem>>, vector<1024x128xf32>
    %get3A_2 = arith.constant 0 : index
    %get3A_3 = arith.constant 0 : index
    %get3A_4 = vector.load %arg1[%get3A_2, %get3A_3] : memref<384x128xf32, #tpu.memory_space<vmem>>, vector<384x128xf32>
    %dot_general3A = arith.constant dense<0.000000e+00> : vector<1024x384xf32>
    %dot_general3A_5 = tpu.matmul %get3A_1, %get3A_4, %dot_general3A {dimension_numbers = #tpu.dot_dimension_numbers<[1], [1], [0], [0], [0, 0, 1, 0], [], []>, transpose_lhs_hint = false} : vector<1024x128xf32>, vector<384x128xf32>, vector<1024x384xf32> -> vector<1024x384xf32>
    %get3A_6 = arith.constant 0 : index
    %get3A_7 = arith.constant 0 : index
    %get3A_8 = vector.load %arg2[%get3A_6, %get3A_7] : memref<1x384xf32, #tpu.memory_space<vmem>>, vector<1x384xf32>
    %add3A = vector.broadcast %get3A_8 : vector<1x384xf32> to vector<1024x384xf32>
    %add3A_9 = arith.addf %dot_general3A_5, %add3A : vector<1024x384xf32>
    %max3A = arith.constant 0.000000e+00 : f32
    %max3A_10 = vector.broadcast %max3A : f32 to vector<1024x384xf32>
    %max3A_11 = arith.maximumf %add3A_9, %max3A_10 : vector<1024x384xf32>
    %get3A_12 = arith.constant 0 : index
    %get3A_13 = arith.constant 0 : index
    %get3A_14 = vector.load %arg3[%get3A_12, %get3A_13] : memref<384x384xf32, #tpu.memory_space<vmem>>, vector<384x384xf32>
    %dot_general3A_15 = arith.constant dense<0.000000e+00> : vector<1024x384xf32>
    %dot_general3A_16 = tpu.matmul %max3A_11, %get3A_14, %dot_general3A_15 {dimension_numbers = #tpu.dot_dimension_numbers<[1], [1], [0], [0], [0, 0, 1, 0], [], []>, transpose_lhs_hint = false} : vector<1024x384xf32>, vector<384x384xf32>, vector<1024x384xf32> -> vector<1024x384xf32>
    %get3A_17 = arith.constant 0 : index
    %get3A_18 = arith.constant 0 : index
    %get3A_19 = vector.load %arg4[%get3A_17, %get3A_18] : memref<1x384xf32, #tpu.memory_space<vmem>>, vector<1x384xf32>
    %add3A_20 = vector.broadcast %get3A_19 : vector<1x384xf32> to vector<1024x384xf32>
    %add3A_21 = arith.addf %dot_general3A_16, %add3A_20 : vector<1024x384xf32>
    %swap3A = arith.constant 0 : index
    %swap3A_22 = arith.constant 0 : index
    %swap3A_23 = vector.load %arg5[%swap3A, %swap3A_22] : memref<1024x384xf32, #tpu.memory_space<vmem>>, vector<1024x384xf32>
    tpu.vector_store %arg5[%swap3A, %swap3A_22], %add3A_21 {strides = array<i32>} : memref<1024x384xf32, #tpu.memory_space<vmem>>, vector<1024x384xf32>,
    return
  }
}

module attributes {stable_mosaic.version = 14 : i64} {
  func.func @_smx_body(%arg0: memref<1024x256xf32, #tpu.memory_space<vmem>>, %arg1: memref<1024x200xf32, #tpu.memory_space<vmem>>, %arg2: memref<1024x200xf32, #tpu.memory_space<vmem>>, %arg3: memref<1024x1xf32, #tpu.memory_space<vmem>>) attributes {dimension_semantics = [], scalar_prefetch = 0 : i64, scratch_operands = 0 : i64, tpu.core_type = #tpu.core_type<tc>} {
    %get3A = arith.constant 0 : index
    %get3A_0 = arith.constant 0 : index
    %get3A_1 = vector.load %arg0[%get3A, %get3A_0] : memref<1024x256xf32, #tpu.memory_space<vmem>>, vector<1024x200xf32>
    %get3A_2 = arith.constant 0 : index
    %get3A_3 = arith.constant 0 : index
    %get3A_4 = vector.load %arg1[%get3A_2, %get3A_3] : memref<1024x200xf32, #tpu.memory_space<vmem>>, vector<1024x200xf32>
    %sub3A = arith.constant 1.000000e+00 : f32
    %sub3A_5 = vector.broadcast %sub3A : f32 to vector<1024x200xf32>
    %sub3A_6 = arith.subf %sub3A_5, %get3A_4 : vector<1024x200xf32>
    %mul3A = arith.constant 1.000000e+31 : f32
    %mul3A_7 = vector.broadcast %mul3A : f32 to vector<1024x200xf32>
    %mul3A_8 = arith.mulf %sub3A_6, %mul3A_7 : vector<1024x200xf32>
    %sub3A_9 = arith.subf %get3A_1, %mul3A_8 : vector<1024x200xf32>
    %reduce_max3A = arith.constant dense<0xFF800000> : vector<1024xf32>
    %reduce_max3A_10 = vector.multi_reduction <maximumf>, %sub3A_9, %reduce_max3A [1] : vector<1024x200xf32> to vector<1024xf32>
    %broadcast_in_dim3A = vector.shape_cast %reduce_max3A_10 : vector<1024xf32> to vector<1024x1xf32>
    %sub3A_11 = vector.broadcast %broadcast_in_dim3A : vector<1024x1xf32> to vector<1024x200xf32>
    %sub3A_12 = arith.subf %sub3A_9, %sub3A_11 : vector<1024x200xf32>
    %exp3A = math.exp %sub3A_12 : vector<1024x200xf32>
    %reduce_sum3A = arith.constant dense<0.000000e+00> : vector<1024xf32>
    %reduce_sum3A_13 = vector.multi_reduction <add>, %exp3A, %reduce_sum3A [1] : vector<1024x200xf32> to vector<1024xf32>
    %broadcast_in_dim3A_14 = vector.shape_cast %reduce_sum3A_13 : vector<1024xf32> to vector<1024x1xf32>
    %div3A = vector.broadcast %broadcast_in_dim3A_14 : vector<1024x1xf32> to vector<1024x200xf32>
    %div3A_15 = arith.divf %exp3A, %div3A : vector<1024x200xf32>
    %swap3A = arith.constant 0 : index
    %swap3A_16 = arith.constant 0 : index
    %swap3A_17 = vector.load %arg2[%swap3A, %swap3A_16] : memref<1024x200xf32, #tpu.memory_space<vmem>>, vector<1024x200xf32>
    tpu.vector_store %arg2[%swap3A, %swap3A_16], %div3A_15 {strides = array<i32>} : memref<1024x200xf32, #tpu.memory_space<vmem>>, vector<1024x200xf32>,
    %neg3A = arith.constant 0.000000e+00 : f32
    %neg3A_18 = vector.broadcast %neg3A : f32 to vector<1024x200xf32>
    %neg3A_19 = arith.subf %neg3A_18, %div3A_15 : vector<1024x200xf32>
    %add3A = arith.constant 2.22044605E-16 : f32
    %add3A_20 = vector.broadcast %add3A : f32 to vector<1024x200xf32>
    %add3A_21 = arith.addf %div3A_15, %add3A_20 : vector<1024x200xf32>
    %log3A = math.log %add3A_21 : vector<1024x200xf32>
    %mul3A_22 = arith.mulf %neg3A_19, %log3A : vector<1024x200xf32>
    %reduce_sum3A_23 = arith.constant dense<0.000000e+00> : vector<1024xf32>
    %reduce_sum3A_24 = vector.multi_reduction <add>, %mul3A_22, %reduce_sum3A_23 [1] : vector<1024x200xf32> to vector<1024xf32>
    %broadcast_in_dim3A_25 = vector.shape_cast %reduce_sum3A_24 : vector<1024xf32> to vector<1024x1xf32>
    %swap3A_26 = arith.constant 0 : index
    %swap3A_27 = arith.constant 0 : index
    %swap3A_28 = vector.load %arg3[%swap3A_26, %swap3A_27] : memref<1024x1xf32, #tpu.memory_space<vmem>>, vector<1024x1xf32>
    tpu.vector_store %arg3[%swap3A_26, %swap3A_27], %broadcast_in_dim3A_25 {strides = array<i32>} : memref<1024x1xf32, #tpu.memory_space<vmem>>, vector<1024x1xf32>,
    return
  }
}

</mosaic_0001>

<sc_bundles>
// kernel: kernel.5.cloned.1.call-start
scs
__scs_entry_jumppad:
0x0: {  	(pc) =	sbr.rel $0x88, $3  }
0x1: {  	(tag) =	ssettag $0x0;
	lr =	simm.s32 $0x1  }
0x2: {  	[smem:$0x3F95] =	sst lr;
	_ =	strace $0xD0000000  }
0x3: {  	_ = 	snop  }
0x4: {  	_ = 	snop  }
0x5: {  	_ = 	snop  }
0x6: {  	_ = 	snop  }
0x7: {  	_ = 	snop  }
__scs_overlays_trampoline_lowered:
0x8: {  	[smem:$0x3FA4] =	sst s0  }
0x9: {  	[smem:$0x3FA5] =	sst s1  }
0xa: {  	[smem:$0x3FA6] =	sst s2  }
0xb: {  	[smem:$0x3FA7] =	sst s3  }
0xc: {  	[smem:$0x3FA8] =	sst s4  }
0xd: {  	[smem:$0x3FA9] =	sst s5  }
0xe: {  	[smem:$0x3FAA] =	sst s6  }
0xf: {  	[smem:$0x3FAB] =	sst s7  }
0x10: {  	[smem:$0x3FAC] =	sst s8  }
0x11: {  	[smem:$0x3FAD] =	sst s9;
	s0 =	simm.s32 @!p0 $0x0  }
0x12: {  	s1 =	sld [smem:$0x3F93];
	s0 =	simm.s32 @p0 $0x1  }
0x13: {  	[smem:$0x3FAE] =	sst s0;
	s0 =	simm.s32 @!p1 $0x0  }
0x14: {  	s2 =	sld [smem:$0x3F92];
	s0 =	simm.s32 @p1 $0x1  }
0x15: {  	[smem:$0x3FAF] =	sst s0;
	s0 =	simm.s32 @!p2 $0x0  }
0x16: {  	s3 =	sld [smem:$0x3FDB];
	s0 =	simm.s32 @p2 $0x1  }
0x17: {  	s4 =	simm.s32 $0x1BF5;
	[smem:$0x3FB1] =	sst s0  }
0x18: {  	s0 =	sld [smem:$0x3F94];
	_ =	swait.ge [sflag:s4], $0x0  }
0x19: {  	s7 =	sld [smem:$0x3F95]  }
0x1a: {  	s8 =	sadd.s32 $0xFFFFE003, lr  }
0x1b: {  	s9 =	sadd.s32 $0xFFFFFEF7, lr;
	s5 =	simm.s32 $0xFFFFFFFF;
	p2 =	slt.u32 s8, $0xFFFFF086  }
0x1c: {  	p1 =	slt.u32 s9, $0xF7A;
	s5 =	simm.s32 @!p2 $0x0  }
0x1d: {  	s5 =	simm.s32 @p1 $0x1;
	p0 =	seq.s32 s7, s2  }
0x1e: {  	s7 =	smul.u32 @!p0 $0xF7A, s2;
	p2 =	seq.s32 @!p0 s5, $0x0  }
0x1f: {  	s9 =	smul.u32 $0xF7A, s1;
	s8 =	simm.s32 @!p0 $0x1BF5;
	p2 =	por !p2, p0  }
0x20: {  	[sflag:s8] =	ssyncset.s32 @!p0 $0xFFFFF086;
	s6 =	sadd.s32 @!p0 s3, s7;
	s7 =	simm.s32 @!p0 $0x108  }
0x21: {  	s3 =	sadd.s32 s3, s9;
	s6 =	sadd.s32 @!p0 $0x88, s6;
	s7 =	simm.s32 @p2 $0x1082  }
0x22: {  	[simem:s7], [sflag:s8] =	dma.local @!p0 [hbm:s6], $0xF7A  }
0x23: {  	s9 =	sor.u32 $0xD0000000, s2;
	s6 =	simm.s32 $0x108;
	_ =	swait.ge @!p0 [sflag:s8], $0x0  }
0x24: {  	s3 =	sadd.s32 $0x88, s3;
	s6 =	simm.s32 @!p1 $0x1082;
	[sflag:s4] =	ssyncset.s32 $0xFFFFF086  }
0x25: {  	[simem:s6], [sflag:s4] =	dma.local [hbm:s3], $0xF7A  }
0x26: {  	[smem:$0x3F95] =	sst s1;
	(tag) =	ssettag s2;
	_ =	strace s9  }
0x27: {  	s1 =	sld [smem:$0x3FA5]  }
0x28: {  	s2 =	sld [smem:$0x3FA6]  }
0x29: {  	s4 =	sld [smem:$0x3FA8]  }
0x2a: {  	p0 =	seq.s32 s5, $0x0;
	s5 =	sld [smem:$0x3FA9]  }
0x2b: {  	s6 =	sld [smem:$0x3FAA]  }
0x2c: {  	s7 =	sld [smem:$0x3FAB]  }
0x2d: {  	s3 =	simm.s32 $0x108;
	s8 =	sld [smem:$0x3FAC]  }
0x2e: {  	s3 =	simm.s32 @!p0 $0x1082;
	s9 =	sld [smem:$0x3FAD]  }
0x2f: {  	lr =	sadd.s32 s0, s3;
	s0 =	sld [smem:$0x3FA4]  }
0x30: {  	s3 =	sld [smem:$0x3FA7]  }
0x31: {  	[smem:$0x3FB0] =	sst s10  }
0x32: {  	s10 =	sld [smem:$0x3FAE];
	_ =	sdelay $0x3  }
0x33: {  	p0 =	seq.s32 s10, $0x1;
	s10 =	sld [smem:$0x3FB0];
	_ =	sdelay $0x3  }
0x34: {  	[smem:$0x3FB0] =	sst s10  }
0x35: {  	s10 =	sld [smem:$0x3FAF];
	_ =	sdelay $0x3  }
0x36: {  	p1 =	seq.s32 s10, $0x1;
	s10 =	sld [smem:$0x3FB0];
	_ =	sdelay $0x3  }
0x37: {  	[smem:$0x3FB0] =	sst s10  }
0x38: {  	s10 =	sld [smem:$0x3FB1]  }
0x39: {  	_ = 	snop;
	(pc) =	sbr.ind lr, $3  }
0x3a: {  	_ = 	snop  }
0x3b: {  	_ = 	snop  }
0x3c: {  	p2 =	seq.s32 s10, $0x1;
	s10 =	sld [smem:$0x3FB0]  }
0x3d: {  	_ =	shalt  }
0x3e: {  	_ =	shalt  }
0x3f: {  	_ =	shalt  }
0x40: {  	_ =	shalt  }
0x41: {  	_ =	shalt  }
0x42: {  	_ =	shalt  }
0x43: {  	_ =	shalt  }
0x44: {  	_ =	shalt  }
0x45: {  	_ =	shalt  }
0x46: {  	_ =	shalt  }
0x47: {  	_ =	shalt  }
0x48: {  	_ =	shalt  }
0x49: {  	_ =	shalt  }
0x4a: {  	_ =	shalt  }
0x4b: {  	_ =	shalt  }
0x4c: {  	_ =	shalt  }
0x4d: {  	_ =	shalt  }
0x4e: {  	_ =	shalt  }
0x4f: {  	_ =	shalt  }
0x50: {  	_ =	shalt  }
0x51: {  	_ =	shalt  }
0x52: {  	_ =	shalt  }
0x53: {  	_ =	shalt  }
0x54: {  	_ =	shalt  }
0x55: {  	_ =	shalt  }
0x56: {  	_ =	shalt  }
0x57: {  	_ =	shalt  }
0x58: {  	_ =	shalt  }
0x59: {  	_ =	shalt  }
0x5a: {  	_ =	shalt  }
0x5b: {  	_ =	shalt  }
0x5c: {  	_ =	shalt  }
0x5d: {  	_ =	shalt  }
0x5e: {  	_ =	shalt  }
0x5f: {  	_ =	shalt  }
0x60: {  	_ =	shalt  }
0x61: {  	_ =	shalt  }
0x62: {  	_ =	shalt  }
0x63: {  	_ =	shalt  }
0x64: {  	_ =	shalt  }
0x65: {  	_ =	shalt  }
0x66: {  	_ =	shalt  }
0x67: {  	_ =	shalt  }
0x68: {  	_ =	shalt  }
0x69: {  	_ =	shalt  }
0x6a: {  	_ =	shalt  }
0x6b: {  	_ =	shalt  }
0x6c: {  	_ =	shalt  }
0x6d: {  	_ =	shalt  }
0x6e: {  	_ =	shalt  }
0x6f: {  	_ =	shalt  }
0x70: {  	_ =	shalt  }
0x71: {  	_ =	shalt  }
0x72: {  	_ =	shalt  }
0x73: {  	_ =	shalt  }
0x74: {  	_ =	shalt  }
0x75: {  	_ =	shalt  }
0x76: {  	_ =	shalt  }
0x77: {  	_ =	shalt  }
0x78: {  	_ =	shalt  }
0x79: {  	_ =	shalt  }
0x7a: {  	_ =	shalt  }
0x7b: {  	_ =	shalt  }
0x7c: {  	_ =	shalt  }
0x7d: {  	_ =	shalt  }
0x7e: {  	_ =	shalt  }
0x7f: {  	_ =	shalt  }
0x80: {  	_ =	shalt  }
0x81: {  	_ =	shalt  }
0x82: {  	_ =	shalt  }
0x83: {  	_ =	shalt  }
0x84: {  	_ =	shalt  }
0x85: {  	_ =	shalt  }
0x86: {  	_ =	shalt  }
0x87: {  	_ =	shalt  }
.Lfunc_end0:
.L_simem_size_0:
called_computation_lowered:
.L_overlay_start_0:
0x88: {  	s2 =	sld [smem:$0x3FD9]  }
0x89: {  	s3 =	sld [smem:$0x3FFE];
	_ =	sdelay $0x1  }
0x8a: {  	s1 =	srdreg.scid  }
0x8b: {  	s0 =	sand.u32 $0x1, s1  }
0x8c: {  	s17 =	sshll.u32 s0, $0xA;
	s2 =	sadd.s32 s3, s2  }
0x8d: {  	s2 =	sadd.s32 s2, s17  }
0x8e: {  	[smem:$0x3FBC] =	sst s2  }
0x8f: {  	_ = 	snop  }
0x90: {  	s2 =	sld [smem:$0x3FC0]  }
0x91: {  	s18 =	sld [smem:$0x3FBF]  }
0x92: {  	s4 =	sld [smem:$0x3FBE];
	(tm) =	ssettm $0x1  }
0x93: {  	s5 =	sld [smem:$0x3FFB];
	_ =	sdelay $0x3  }
0x94: {  	_ =	strace s5  }
0x95: {  	s5 =	sld [smem:$0x3FFC];
	_ =	sdelay $0x3  }
0x96: {  	_ =	strace s5  }
0x97: {  	s5 =	sld [smem:$0x3FFD];
	_ =	sdelay $0x3  }
0x98: {  	_ =	strace s5  }
0x99: {  	_ =	strace $0x8FFFFFFF  }
0x9a: {  	s19 =	sld [smem:$0x3FDB];
	_ =	sdelay $0x1  }
0x9b: {  	s6 =	simm.s32 $_scs_section_size  }
0x9c: {  	s7 =	simm.s32 $_size__tile_overlayer_lowered;
	s8 =	simm.s32 $_tile_overlayer_lowered  }
0x9d: {  	s22 =	simm.s32 $0x1BFF;
	s21 =	sshll.u32 s8, $0x1;
	s5 =	sadd.s32 s6, s19  }
0x9e: {  	s9 =	simm.s32 $0x0;
	s20 =	sshll.u32 s7, $0x1;
	s7 =	sadd.s32 s21, s5  }
0x9f: {  	[timem:s9], [sflag:s22] =	dma.local [hbm:s7], s20  }
0xa0: {  	_ =	swait.ge [sflag:s22], s20  }
0xa1: {  	s6 =	ssub.s32 $0x0, s20;
	[sflag:s22] =	ssyncset.done $0x0  }
0xa2: {  	[sflag:s22] =	ssyncadd.s32 s6;
	_ =	sdelay $0x1  }
0xa3: {  	s23 =	simm.s32 $0x1B8B  }
0xa4: {  	_ =	swait.ge [sflag:s23], $0x1  }
0xa5: {  	[sflag:s23] =	ssyncset.done $0x0  }
0xa6: {  	s25 =	simm.s32 $0x1B8E;
	s24 =	sld [smem:$0x3FFE];
	[sflag:s23] =	ssyncadd.s32 $0xFFFFFFFF  }
0xa7: {  	s26 =	simm.s32 $execute0_lowered;
	[smem:$0x3FD2] =	sst s25  }
0xa8: {  	s7 =	sshll.u32 s26, $0x1;
	_ =	strace $0x80000046;
	[dreg:$0x1] =	wrdreg $0xFFFFFFFF  }
0xa9: {  	s28 =	simm.s32 $_size_execute0_lowered;
	s5 =	sadd.s32 s5, s7;
	[dreg:$0x0] =	wrdreg $0x0  }
0xaa: {  	s7 =	sshll.u32 s28, $0x1;
	[dreg:$0x2] =	wrdreg s5  }
0xab: {  	[dreg:$0x3] =	wrdreg s7  }
0xac: {  	[dreg:$0x4] =	wrdreg $0xC0  }
0xad: {  	_ =	task [dreg:s9], $0x5FFFF  }
0xae: {  	[dreg:$0x1] =	wrdreg $0xFFFFFFFF  }
0xaf: {  	[dreg:$0x0] =	wrdreg $0x60  }
0xb0: {  	[dreg:$0x2] =	wrdreg s24  }
0xb1: {  	[dreg:$0x3] =	wrdreg s2  }
0xb2: {  	[dreg:$0x4] =	wrdreg s18  }
0xb3: {  	[dreg:$0x5] =	wrdreg s4  }
0xb4: {  	[dreg:$0x6] =	wrdreg $0x9  }
0xb5: {  	_ =	task.clear_ibuf [dreg:s9], $0x7FFFF;
	_ =	strace $0x90000046  }
0xb6: {  	s29 =	simm.s32 $0x9;
	_ =	strace $0x80000048  }
0xb7: {  	_ =	swait.ge [sflag:s29], $0x1  }
0xb8: {  	[sflag:s29] =	ssyncadd.s32 $0xFFFFFFFF  }
0xb9: {  	_ =	strace $0x90000048  }
0xba: {  	_ =	sfence  }
0xbb: {  	s30 =	sld [smem:$0x0];
	_ =	sdelay $0x2  }
0xbc: {  	s31 =	sshll.u32 s1, $0xD;
	s1 =	sshrl.u32 s1, $0x2  }
0xbd: {  	s3 =	sand.u32 $0x4000, s31;
	s1 =	sadd.s32 s1, s30  }
0xbe: {  	s0 =	sor.u32 s3, s0;
	s1 =	sshll.u32 s1, $0x11  }
0xbf: {  	s0 =	sor.u32 s1, s0  }
0xc0: {  	s0 =	sadd.s32 $0x8F2B, s0  }
0xc1: {  	[sflag:s0] =	ssyncadd.remote.s32 $0x1  }
0xc2: {  	_ =	sfence.sel $0xFFFF  }
0xc3: {  	[dreg:$0x0] =	wrdreg $0xFFFFFFFF;
	(pc) =	sbr.abs _section_cstart, $3  }
0xc4: {  	[dreg:$0x1] =	wrdreg $0xFFFFFFFF  }
0xc5: {  	_ =	task.clear_ibuf [dreg:s9], $0x2FFFF;
	_ =	strace $0x9FFFFFFF  }
0xc6: {  	(tm) =	ssettm $0x7FFFFFFF  }
0xc7: {  	_ =	shalt  }
tec
execute0_lowered:
.L_overlay_start_1:
0x0: {  	(tag) =	ssettag $0x1  }
0x1: {  	s0 =	rddreg [dreg:$0x0]  }
0x2: {  	s1 =	rddreg [dreg:$0x1]  }
0x3: {  	s3 =	rddreg [dreg:$0x2]  }
0x4: {  	s4 =	rddreg [dreg:$0x3]  }
0x5: {  	s2 =	srdreg.scid;
	s5 =	stileid.u32  }
0x6: {  	s7 =	simm.s32 $0x0;
	s12 =	simm.s32 $0x400;
	s14 =	simm.s32 $0x64  }
0x7: {  	v0 =	vimm.s32 $0xFEDCBA98;
	v1 =	vimm.s32 $0x76543210;
	s19 =	simm.s32 $0x300;
	s22 =	simm.s32 $0x80;
	s25 =	simm.s32 $0x6D00  }
0x8: {  	v2 =	vimm.s32 $0x3210FEDC;
	s28 =	simm.s32 $0x9F00;
	s30 =	simm.s32 $0xD100;
	s13 =	simm.s32 $0x19900  }
0x9: {  	v3 =	vimm.s32 $0xBA987654;
	v4 =	vimm.s32 $0x10FEDCBA;
	s15 =	simm.s32 $0x3;
	s11 =	simm.s32 $0x19A00;
	s2 =	sand.u32 $0x1, s2  }
0xa: {  	v5 =	vimm.s32 $0x98765432;
	v6 =	vimm.s32 $0xFEDCBA9;
	v7 =	vimm.s32 $0x87654321;
	s23 =	simm.s32 $0x5;
	s5 =	sshll.u32 s5, $0x6;
	s6 =	sshll.u32 s2, $0x5  }
0xb: {  	[smem:$0x7FF] =	sst s7;
	s7 =	sadd.s32 $0x19600, s0;
	v0 =	vunpack.c.l.s4.s8 v0;
	v1 =	vunpack.c.l.s4.s8 v1;
	v2 =	vunpack.c.l.s4.s8 v2;
	s6 =	sor.u32 s6, s5  }
0xc: {  	v3 =	vunpack.c.l.s4.s8 v3;
	v4 =	vunpack.c.l.s4.s8 v4;
	v5 =	vunpack.c.l.s4.s8 v5;
	s2 =	ssub.s32 $0x2, s2;
	s5 =	smul.u32 $0x60, s6;
	s8 =	sshrl.u32 s6, $0x3  }
0xd: {  	v6 =	vunpack.c.l.s4.s8 v6;
	v7 =	vunpack.c.l.s4.s8 v7;
	s26 =	sshrl.u32 s2, $0x1;
	v0 =	vunpack.c.0.s8.s32 v0;
	s10 =	smul.u32 $0x180, s8;
	s8 =	sadd.s32 $0x1600, s0  }
0xe: {  	s9 =	sadd.s32 $0x25600, s0;
	v2 =	vunpack.c.0.s8.s32 v2;
	v3 =	vunpack.c.0.s8.s32 v3;
	v4 =	vunpack.c.0.s8.s32 v4;
	s0 =	ssub.s32 s2, s26;
	s5 =	sadd.s32 s8, s5  }
0xf: {  	_ =	strace $0x80000047;
	v5 =	vunpack.c.0.s8.s32 v5;
	v6 =	vunpack.c.0.s8.s32 v6;
	v7 =	vunpack.c.0.s8.s32 v7;
	s0 =	smax.u32 s0, $0x1;
	[dreg:$0x5] =	wrdreg s5  }
0x10: {  	s17 =	simm.s32 $0x0;
	v1 =	vunpack.c.0.s8.s32 v1;
	v2 =	vcombine.low v3, v2;
	s29 =	sadd.s32 $0x60, s5;
	[dreg:$0x9] =	wrdreg s0  }
0x11: {  	s2 =	simm.s32 $0x1;
	v3 =	vcombine.low v5, v4;
	v4 =	vcombine.low v7, v6;
	v0 =	vand.u32 $0xF, v0;
	s10 =	sadd.s32 s7, s10;
	[dreg:$0x7] =	wrdreg s29  }
0x12: {  	v0 =	vcombine.low v0, v1;
	s0 =	simm.s32 $0x10300;
	[dreg:$0x6] =	wrdreg s10;
	s31 =	sadd.s32 $0x10, s10  }
0x13: {  	v1 =	vand.u32 $0xF, v2;
	v2 =	vand.u32 $0xF, v3;
	v3 =	vand.u32 $0xF, v4;
	s5 =	simm.s32 $0x4;
	s10 =	simm.s32 $0x580;
	[dreg:$0x8] =	wrdreg s31  }
.LBB2_1:
0x14: {  	[dreg:$0xa] =	wrdreg s17  }
0x15: {  	s16 =	simm.s32 $0x0;
	s29 =	rddreg [dreg:$0x5]  }
0x16: {  	[tilespmem:s16], [sflag:$0x2] =	stream.linear.gather [hbm4b:s29+s16], $0x300, $0x38;
	[tilespmem:$0x19B00] =	vst v63  }
0x17: {  	s31 =	rddreg [dreg:$0x6];
	s18 =	simm.s32 $0x600;
	s20 =	simm.s32 $0x2  }
0x18: {  	[tilespmem:s18], [sflag:$0x2] =	stream.strided.gather [hbm4b:s31+s22], $0x180, s12, s22, $0x38;
	[tilespmem:$0x19B00] =	vst v63  }
0x19: {  	_ =	swait.ge [sflag:s20], $0x300  }
0x1a: {  	[sflag:s20] =	ssyncset.done $0x0  }
0x1b: {  	[sflag:s20] =	ssyncadd.s32 $0xFFFFFD00  }
0x1c: {  	_ =	swait.ge [sflag:s20], $0x180  }
0x1d: {  	[sflag:s20] =	ssyncset.done $0x0  }
0x1e: {  	s21 =	simm.s32 $0x900;
	[sflag:s20] =	ssyncadd.s32 $0xFFFFFE80  }
0x1f: {  	[tilespmem:s21], [sflag:$0x1] =	stream.indirect.gather [hbm4b:s1+s14], $0x80, s16, s14, $0xb8;
	[tilespmem:$0x19B00] =	vst v63  }
0x20: {  	s24 =	simm.s32 $0x3B00  }
0x21: {  	[tilespmem:s24], [sflag:$0x1] =	stream.indirect.gather [hbm4b:s1+s14], $0x80, s22, s14, $0xb8;
	[tilespmem:$0x19B00] =	vst v63  }
0x22: {  	s26 =	rddreg [dreg:$0x7]  }
0x23: {  	[tilespmem:s19], [sflag:$0x3] =	stream.linear.gather [hbm4b:s26+s16], $0x300, $0x38;
	[tilespmem:$0x19B00] =	vst v63  }
0x24: {  	s31 =	simm.s32 $0x780;
	s29 =	rddreg [dreg:$0x8];
	s24 =	simm.s32 $0x0  }
0x25: {  	[tilespmem:s31], [sflag:$0x3] =	stream.strided.gather [hbm4b:s29+s22], $0x180, s12, s22, $0x38;
	[tilespmem:$0x19B00] =	vst v63  }
.LBB2_2:
0x26: {  	s16 =	simm.s32 $0x100  }
0x27: {  	[tilespmem:s25], [sflag:$0x1] =	stream.indirect.gather [hbm4b:s3+s14], $0x80, s16, s14, $0xb8;
	[tilespmem:$0x19B00] =	vst v63  }
0x28: {  	s17 =	simm.s32 $0x180  }
0x29: {  	[tilespmem:s28], [sflag:$0x1] =	stream.indirect.gather [hbm4b:s3+s14], $0x80, s17, s14, $0xb8;
	[tilespmem:$0x19B00] =	vst v63  }
0x2a: {  	s18 =	simm.s32 $0x200  }
0x2b: {  	[tilespmem:s30], [sflag:$0x1] =	stream.indirect.gather [hbm4b:s4+s14], $0x80, s18, s14, $0xb8;
	[tilespmem:$0x19B00] =	vst v63  }
0x2c: {  	s20 =	simm.s32 $0x280  }
0x2d: {  	[tilespmem:s0], [sflag:$0x1] =	stream.indirect.gather [hbm4b:s4+s14], $0x80, s20, s14, $0xb8;
	[tilespmem:$0x19B00] =	vst v63  }
0x2e: {  	_ =	swait.ge [sflag:s2], $0x3200  }
0x2f: {  	[sflag:s2] =	ssyncset.done $0x0  }
0x30: {  	[sflag:s2] =	ssyncadd.s32 $0xFFFFCE00  }
0x31: {  	_ =	swait.ge [sflag:s2], $0x3200  }
0x32: {  	[sflag:s2] =	ssyncset.done $0x0  }
0x33: {  	[sflag:s2] =	ssyncadd.s32 $0xFFFFCE00  }
0x34: {  	_ =	swait.ge [sflag:s2], $0x3200  }
0x35: {  	[sflag:s2] =	ssyncset.done $0x0  }
0x36: {  	[sflag:s2] =	ssyncadd.s32 $0xFFFFCE00  }
0x37: {  	_ =	swait.ge [sflag:s2], $0x3200  }
0x38: {  	[sflag:s2] =	ssyncset.done $0x0  }
0x39: {  	[sflag:s2] =	ssyncadd.s32 $0xFFFFCE00  }
0x3a: {  	_ =	swait.ge [sflag:s2], $0x3200  }
0x3b: {  	[sflag:s2] =	ssyncset.done $0x0  }
0x3c: {  	[sflag:s2] =	ssyncadd.s32 $0xFFFFCE00  }
0x3d: {  	_ =	swait.ge [sflag:s2], $0x3200  }
0x3e: {  	[sflag:s2] =	ssyncset.done $0x0  }
0x3f: {  	[sflag:s2] =	ssyncadd.s32 $0xFFFFCE00  }
0x40: {  	v18 =	vld [tilespmem:$0x600]  }
0x41: {  	v27 =	vld [tilespmem:$0x610]  }
0x42: {  	v25 =	vld [tilespmem:$0x620]  }
0x43: {  	v26 =	vld [tilespmem:$0x630]  }
0x44: {  	v22 =	vld [tilespmem:$0x640]  }
0x45: {  	v23 =	vld [tilespmem:$0x650]  }
0x46: {  	v24 =	vld [tilespmem:$0x660]  }
0x47: {  	v21 =	vld [tilespmem:$0x670]  }
0x48: {  	v20 =	vld [tilespmem:$0x680]  }
0x49: {  	v19 =	vld [tilespmem:$0x690]  }
0x4a: {  	v16 =	vld [tilespmem:$0x6A0]  }
0x4b: {  	v17 =	vld [tilespmem:$0x6B0]  }
0x4c: {  	v15 =	vld [tilespmem:$0x6C0]  }
0x4d: {  	v14 =	vld [tilespmem:$0x6D0]  }
0x4e: {  	v12 =	vld [tilespmem:$0x6E0]  }
0x4f: {  	v13 =	vld [tilespmem:$0x6F0]  }
0x50: {  	v10 =	vld [tilespmem:$0x700]  }
0x51: {  	s21 =	sshll.u32 s24, $0x1;
	v11 =	vld [tilespmem:$0x710]  }
0x52: {  	p0 =	seq.s32 s24, $0xF;
	s29 =	sadd.s32 s6, s21;
	v5 =	vld [tilespmem:$0x720]  }
0x53: {  	s16 =	sadd.s32 @!p0 $0x2, s29;
	v6 =	vld [tilespmem:$0x730]  }
0x54: {  	s17 =	smul.u32 @!p0 $0x60, s16;
	v4 =	vld [tilespmem:$0x740]  }
0x55: {  	v7 =	vld [tilespmem:$0x750]  }
0x56: {  	s17 =	sadd.s32 @!p0 s8, s17;
	s18 =	simm.s32 @!p0 $0x0;
	v8 =	vld [tilespmem:$0x760]  }
0x57: {  	v9 =	vld [tilespmem:$0x770];
	[tilespmem:s18], [sflag:$0x2] =	stream.linear.gather @!p0 [hbm4b:s17+s18], $0x300, $0x38  }
0x58: {  	s17 =	sshrl.u32 @!p0 s16, $0x3  }
0x59: {  	s16 =	sshll.u32 @!p0 s16, $0x7;
	s17 =	smul.u32 @!p0 $0xC00, s17  }
0x5a: {  	s16 =	sand.u32 @!p0 $0x300, s16  }
0x5b: {  	p1 =	seq.s32 @!p0 s24, $0x0;
	s16 =	sor.u32 @!p0 s16, s17  }
0x5c: {  	p1 =	por p0, !p1;
	s20 =	simm.s32 @!p0 $0x600;
	s16 =	sshrl.u32 @!p0 s16, $0x3  }
0x5d: {  	s18 =	simm.s32 @!p0 $0x400;
	s17 =	simm.s32 @!p0 $0x80;
	s16 =	sadd.s32 @!p0 s7, s16  }
0x5e: {  	[tilespmem:s20], [sflag:$0x2] =	stream.strided.gather @!p0 [hbm4b:s16+s17], $0x180, s18, s17, $0x38;
	[tilespmem:$0x19B00] =	vst v63  }
0x5f: {  	_ =	swait.ge @p1 [sflag:s5], $0x100  }
0x60: {  	[sflag:s5] =	ssyncset.done @p1 $0x0  }
0x61: {  	s26 =	simm.s32 $0x900;
	[sflag:s5] =	ssyncadd.s32 @p1 $0xFFFFFF00  }
0x62: {  	v28 =	vld [tilespmem:s26+$0xC8C0]  }
0x63: {  	v29 =	vld [tilespmem:s26+$0xC8D0]  }
0x64: {  	v30 =	vld [tilespmem:s26+$0xC880]  }
0x65: {  	v31 =	vld [tilespmem:s26+$0xC890]  }
0x66: {  	v32 =	vld [tilespmem:s26+$0x64C0]  }
0x67: {  	v33 =	vld [tilespmem:s26+$0x64D0]  }
0x68: {  	v34 =	vld [tilespmem:s26+$0x6480]  }
0x69: {  	v35 =	vld [tilespmem:s26+$0x6490]  }
0x6a: {  	v36 =	vld [tilespmem:s26+$0x80]  }
0x6b: {  	v37 =	vld [tilespmem:s26+$0x90]  }
0x6c: {  	v38 =	vld [tilespmem:s26+$0xA0]  }
0x6d: {  	v39 =	vld [tilespmem:s26+$0xB0]  }
0x6e: {  	v40 =	vld [tilespmem:s26+$0xC0]  }
0x6f: {  	v41 =	vld [tilespmem:s26+$0xD0]  }
0x70: {  	v42 =	vld [tilespmem:s26+$0xE0]  }
0x71: {  	v43 =	vld [tilespmem:s26+$0xF0]  }
0x72: {  	v44 =	vld [tilespmem:s26+$0x64A0]  }
0x73: {  	v45 =	vld [tilespmem:s26+$0x64B0]  }
0x74: {  	v46 =	vld [tilespmem:s26+$0x64E0]  }
0x75: {  	v47 =	vld [tilespmem:s26+$0x64F0]  }
0x76: {  	v48 =	vld [tilespmem:s26+$0xC8A0];
	v36 =	vmul.f32 v36, v18  }
0x77: {  	v59 =	vld [tilespmem:s26+$0xC8B0];
	v40 =	vmul.f32 v40, v22;
	v37 =	vmul.f32 v37, v27  }
0x78: {  	v60 =	vld [tilespmem:s26+$0xC8E0];
	v41 =	vmul.f32 v41, v23;
	v38 =	vmul.f32 v38, v25  }
0x79: {  	v61 =	vld [tilespmem:s26+$0xC8F0];
	v42 =	vmul.f32 v42, v24;
	v39 =	vmul.f32 v39, v26  }
0x7a: {  	v62 =	vld [tilespmem:s26+$0x10];
	v43 =	vmul.f32 v43, v21;
	v28 =	vmul.f32 v28, v4  }
0x7b: {  	v63 =	vld [tilespmem:s26+$0x20];
	v34 =	vmul.f32 v34, v20;
	v29 =	vmul.f32 v29, v7  }
0x7c: {  	v50 =	vld [tilespmem:s26+$0x50];
	v35 =	vmul.f32 v35, v19;
	v30 =	vmul.f32 v30, v10  }
0x7d: {  	v52 =	vld [tilespmem:s26+$0x60];
	v44 =	vmul.f32 v44, v16;
	v31 =	vmul.f32 v31, v11  }
0x7e: {  	v53 =	vld [tilespmem:s26+$0x70];
	v45 =	vmul.f32 v45, v17;
	v32 =	vmul.f32 v32, v15  }
0x7f: {  	v55 =	vld [tilespmem:s26+$0x0];
	v33 =	vmul.f32 v33, v14;
	v46 =	vmul.f32 v46, v12  }
0x80: {  	v58 =	vld [tilespmem:s26+$0x6400];
	v49 =	vmul.f32 v47, v13;
	v51 =	vmul.f32 v48, v5;
	v36 =	vadd.f32 v40, v36  }
0x81: {  	v54 =	vmul.f32 v60, v8;
	v60 =	vld [tilespmem:s26+$0x6420];
	v37 =	vadd.f32 v41, v37;
	v38 =	vadd.f32 v42, v38  }
0x82: {  	v57 =	vmul.f32 v61, v9;
	v61 =	vld [tilespmem:s26+$0x6430];
	v39 =	vadd.f32 v43, v39;
	v34 =	vadd.f32 v34, v36  }
0x83: {  	v62 =	vmul.f32 v62, v27;
	v35 =	vadd.f32 v35, v37;
	v37 =	vld [tilespmem:s26+$0x30];
	v38 =	vadd.f32 v44, v38  }
0x84: {  	v40 =	vmul.f32 v59, v6;
	v44 =	vld [tilespmem:s26+$0x40];
	v39 =	vadd.f32 v45, v39;
	v32 =	vadd.f32 v32, v34  }
0x85: {  	v36 =	vmul.f32 v63, v25;
	v63 =	vld [tilespmem:s26+$0x6450];
	v33 =	vadd.f32 v33, v35;
	v38 =	vadd.f32 v46, v38  }
0x86: {  	v39 =	vadd.f32 v49, v39;
	v49 =	vmul.f32 v50, v23;
	v50 =	vld [tilespmem:s26+$0x6470];
	v30 =	vadd.f32 v30, v32  }
0x87: {  	v35 =	vmul.f32 v52, v24;
	v52 =	vld [tilespmem:s26+$0xC800];
	v31 =	vadd.f32 v31, v33;
	v34 =	vadd.f32 v51, v38  }
0x88: {  	v56 =	vadd.f32 v40, v39;
	v33 =	vmul.f32 v55, v18;
	v32 =	vadd.f32 v49, v62;
	v55 =	vld [tilespmem:s26+$0xC820]  }
0x89: {  	v40 =	vmul.f32 v58, v20;
	v58 =	vld [tilespmem:s26+$0xC840];
	v28 =	vadd.f32 v28, v30;
	v29 =	vadd.f32 v29, v31  }
0x8a: {  	v53 =	vmul.f32 v53, v21;
	v30 =	vld [tilespmem:s26+$0x6410];
	v31 =	vadd.f32 v54, v34;
	v59 =	vadd.f32 v57, v56  }
0x8b: {  	v35 =	vadd.f32 v35, v36;
	v38 =	vmul.f32 v61, v17;
	v37 =	vmul.f32 v37, v26;
	v54 =	vld [tilespmem:s26+$0xC810]  }
0x8c: {  	v48 =	vmul.f32 v44, v22;
	v56 =	vld [tilespmem:s26+$0xC830];
	v28 =	vadd.f32 v29, v28;
	v29 =	vadd.f32 v59, v31  }
0x8d: {  	v62 =	vmul.f32 v63, v14;
	v34 =	vmul.f32 v60, v16;
	v37 =	vadd.f32 v53, v37;
	v31 =	vld [tilespmem:s26+$0x6440]  }
0x8e: {  	v33 =	vadd.f32 v48, v33;
	v47 =	vmul.f32 v50, v13;
	v28 =	vadd.f32 v29, v28;
	v29 =	vld [tilespmem:s26+$0x6460]  }
0x8f: {  	v60 =	vld [tilespmem:s26+$0xC850];
	v49 =	vmul.f32 v52, v10;
	v59 =	vadd.f32 v34, v35;
	v61 =	vadd.f32 v38, v37  }
0x90: {  	v63 =	vld [tilespmem:s26+$0xC860];
	v33 =	vadd.f32 v40, v33;
	v30 =	vmul.f32 v30, v19;
	v36 =	vmul.f32 v54, v11  }
0x91: {  	v48 =	vld [tilespmem:s26+$0xC870];
	s26 =	simm.s32 $0xA00;
	v50 =	vadd.f32 v47, v61;
	v52 =	vmul.f32 v56, v6;
	v51 =	vperm.xlane v28, v0  }
0x92: {  	v43 =	vld [tilespmem:s26+$0xC8C0];
	v54 =	vmul.f32 v58, v4;
	v30 =	vadd.f32 v30, v32;
	v31 =	vmul.f32 v31, v15  }
0x93: {  	v45 =	vld [tilespmem:s26+$0xC8D0];
	v32 =	vadd.f32 v52, v50;
	v28 =	vadd.f32 v28, v51;
	v29 =	vmul.f32 v29, v12  }
0x94: {  	v53 =	vld [tilespmem:s26+$0xC880];
	v34 =	vmul.f32 v60, v7;
	v31 =	vadd.f32 v31, v33;
	v30 =	vadd.f32 v62, v30  }
0x95: {  	v60 =	vld [tilespmem:s26+$0x64D0];
	v51 =	vmul.f32 v55, v5;
	v57 =	vperm.xlane v28, v1;
	v29 =	vadd.f32 v29, v59  }
0x96: {  	v56 =	vmul.f32 v63, v8;
	v35 =	vld [tilespmem:s26+$0x6490];
	v31 =	vadd.f32 v49, v31;
	v30 =	vadd.f32 v36, v30  }
0x97: {  	v37 =	vld [tilespmem:s26+$0x80];
	v58 =	vmul.f32 v48, v9;
	v28 =	vadd.f32 v28, v57;
	v29 =	vadd.f32 v51, v29  }
0x98: {  	v40 =	vld [tilespmem:s26+$0x90];
	v31 =	vadd.f32 v54, v31;
	v30 =	vadd.f32 v34, v30  }
0x99: {  	v55 =	vld [tilespmem:s26+$0xC890];
	v32 =	vadd.f32 v58, v32;
	v59 =	vperm.xlane v28, v2;
	v29 =	vadd.f32 v56, v29  }
0x9a: {  	v57 =	vld [tilespmem:s26+$0x64C0];
	v30 =	vadd.f32 v30, v31  }
0x9b: {  	s31 =	simm.s32 $0x1;
	v38 =	vld [tilespmem:s26+$0xA0];
	v28 =	vadd.f32 v28, v59;
	v29 =	vadd.f32 v32, v29  }
0x9c: {  	v39 =	vld [tilespmem:s26+$0xB0];
	v31 =	vmov s31  }
0x9d: {  	v36 =	vld [tilespmem:s26+$0x6480];
	v61 =	vperm.xlane v28, v3;
	v62 =	vadd.f32 v29, v30  }
0x9e: {  	v41 =	vld [tilespmem:s26+$0xC0];
	v33 =	vmul.f32 v60, v14;
	v32 =	vmul.f32 v55, v11  }
0x9f: {  	v42 =	vld [tilespmem:s26+$0xD0];
	v34 =	vmul.f32 v57, v15;
	v28 =	vadd.f32 v28, v61;
	v63 =	vperm.xlane v62, v0  }
0xa0: {  	v44 =	vld [tilespmem:s26+$0xF0];
	v30 =	vmul.f32 v43, v4;
	v29 =	vmul.f32 v45, v7  }
0xa1: {  	s20 =	simm.s32 $0x0;
	s18 =	simm.s32 $0x2;
	s16 =	simm.s32 $0x4;
	v43 =	vld [tilespmem:s26+$0xE0];
	[tilespmem:v31+s13+$0x0] =	vst.idx.msk $0x1, v28;
	v31 =	vmul.f32 v53, v10;
	v28 =	vadd.f32 v62, v63  }
.LBB2_3:
0xa2: {  	p2 =	slt.u32 s16, $0xC6;
	v36 =	vmul.f32 v36, v20;
	v35 =	vmul.f32 v35, v19;
	v45 =	vld [tilespmem:s26+$0x64A0]  }
0xa3: {  	v37 =	vmul.f32 v37, v18;
	v40 =	vmul.f32 v40, v27;
	v46 =	vld [tilespmem:s26+$0x64B0]  }
0xa4: {  	v38 =	vmul.f32 v38, v25;
	v39 =	vmul.f32 v39, v26;
	v47 =	vld [tilespmem:s26+$0x64E0]  }
0xa5: {  	v41 =	vmul.f32 v41, v22;
	v42 =	vmul.f32 v42, v23;
	v48 =	vld [tilespmem:s26+$0x64F0]  }
0xa6: {  	v43 =	vmul.f32 v43, v24;
	v44 =	vmul.f32 v44, v21;
	v49 =	vld [tilespmem:s26+$0xC8A0]  }
0xa7: {  	v37 =	vadd.f32 v41, v37;
	v40 =	vadd.f32 v42, v40;
	v41 =	vmul.f32 v45, v16;
	v42 =	vld [tilespmem:s26+$0xC8B0]  }
0xa8: {  	v38 =	vadd.f32 v43, v38;
	v39 =	vadd.f32 v44, v39;
	v43 =	vmul.f32 v46, v17;
	v44 =	vld [tilespmem:s26+$0xC8E0]  }
0xa9: {  	v36 =	vadd.f32 v36, v37;
	v35 =	vadd.f32 v35, v40;
	v37 =	vmul.f32 v47, v12;
	v40 =	vld [tilespmem:s26+$0xC8F0]  }
0xaa: {  	v38 =	vadd.f32 v41, v38;
	v45 =	vld [tilespmem:s26+$0x10];
	v39 =	vadd.f32 v43, v39;
	v41 =	vmul.f32 v48, v13  }
0xab: {  	v34 =	vadd.f32 v34, v36;
	v33 =	vadd.f32 v33, v35;
	v43 =	vld [tilespmem:s26+$0x20];
	v35 =	vmul.f32 v49, v5  }
0xac: {  	v37 =	vadd.f32 v37, v38;
	v36 =	vld [tilespmem:s26+$0x30];
	v38 =	vadd.f32 v41, v39;
	v39 =	vmul.f32 v42, v6  }
0xad: {  	v31 =	vadd.f32 v31, v34;
	v32 =	vadd.f32 v32, v33;
	v41 =	vld [tilespmem:s26+$0x40];
	v33 =	vmul.f32 v44, v8  }
0xae: {  	v35 =	vadd.f32 v35, v37;
	v34 =	vld [tilespmem:s26+$0x50];
	v37 =	vadd.f32 v39, v38;
	v38 =	vmul.f32 v40, v9  }
0xaf: {  	v30 =	vadd.f32 v30, v31;
	v29 =	vadd.f32 v29, v32;
	v39 =	vmul.f32 v45, v27;
	v40 =	vld [tilespmem:s26+$0x60]  }
0xb0: {  	v33 =	vadd.f32 v33, v35;
	v31 =	vmul.f32 v43, v25;
	v32 =	vld [tilespmem:s26+$0x70];
	v35 =	vadd.f32 v38, v37  }
0xb1: {  	v42 =	vmov s20;
	s20 =	smov.u32 s18;
	s18 =	smov.u32 s16;
	v38 =	vperm.xlane v28, v1;
	v37 =	vld [tilespmem:s26+$0x0];
	v36 =	vmul.f32 v36, v26  }
0xb2: {  	v29 =	vadd.f32 v29, v30;
	v41 =	vmul.f32 v41, v22;
	v43 =	vld [tilespmem:s26+$0x6400];
	v30 =	vadd.f32 v35, v33  }
0xb3: {  	v28 =	vadd.f32 v28, v38;
	v35 =	vand.u32 $0xFFFFFFFE, v42;
	v33 =	vmul.f32 v34, v23;
	v34 =	vld [tilespmem:s26+$0x6410]  }
0xb4: {  	v38 =	vmul.f32 v40, v24;
	v40 =	vld [tilespmem:s26+$0x6420];
	v29 =	vadd.f32 v30, v29;
	v30 =	vbroadcast v35, $0x0  }
0xb5: {  	v33 =	vadd.f32 v33, v39;
	v32 =	vmul.f32 v32, v21;
	v35 =	vld [tilespmem:s26+$0x6430];
	v39 =	vperm.xlane v28, v2  }
0xb6: {  	v37 =	vmul.f32 v37, v18;
	v31 =	vadd.f32 v38, v31;
	v38 =	vld [tilespmem:s26+$0x6440];
	v42 =	vperm.xlane v29, v0  }
0xb7: {  	v32 =	vadd.f32 v32, v36;
	v36 =	vmul.f32 v43, v20;
	v43 =	vld [tilespmem:s26+$0x6450];
	v28 =	vadd.f32 v28, v39  }
0xb8: {  	v37 =	vadd.f32 v41, v37;
	v34 =	vmul.f32 v34, v19;
	v39 =	vld [tilespmem:s26+$0x6460];
	v29 =	vadd.f32 v29, v42  }
0xb9: {  	v40 =	vmul.f32 v40, v16;
	v41 =	vld [tilespmem:s26+$0x6470];
	v42 =	vperm.xlane v28, v3  }
0xba: {  	v36 =	vadd.f32 v36, v37;
	v35 =	vmul.f32 v35, v17;
	v37 =	vld [tilespmem:s26+$0xC800];
	v44 =	vperm.xlane v29, v1  }
0xbb: {  	v33 =	vadd.f32 v34, v33;
	v31 =	vadd.f32 v40, v31;
	v34 =	vmul.f32 v38, v15;
	v38 =	vld [tilespmem:s26+$0xC810]  }
0xbc: {  	v32 =	vadd.f32 v35, v32;
	v35 =	vmul.f32 v43, v14;
	v40 =	vld [tilespmem:s26+$0xC820];
	v29 =	vadd.f32 v29, v44  }
0xbd: {  	v28 =	vadd.f32 v28, v42;
	v34 =	vadd.f32 v34, v36;
	v36 =	vmul.f32 v39, v12;
	v39 =	vld [tilespmem:s26+$0xC830]  }
0xbe: {  	v33 =	vadd.f32 v35, v33;
	v35 =	vmul.f32 v41, v13;
	v41 =	vld [tilespmem:s26+$0xC840];
	v42 =	vperm.xlane v29, v2  }
0xbf: {  	v31 =	vadd.f32 v36, v31;
	v36 =	vmul.f32 v37, v10;
	v37 =	vld [tilespmem:s26+$0xC850];
	[tilespmem:v30+s13+$0x0] =	vst.idx.msk $0x1, v28  }
0xc0: {  	s17 =	sadd.s32 $0x1, s20;
	v28 =	vadd.f32 v35, v32;
	v30 =	vmul.f32 v38, v11;
	v32 =	vld [tilespmem:s26+$0xC860];
	v29 =	vadd.f32 v29, v42  }
0xc1: {  	v38 =	vmov s17;
	v34 =	vadd.f32 v36, v34;
	v35 =	vmul.f32 v40, v5;
	v36 =	vld [tilespmem:s26+$0xC870];
	s26 =	sadd.s32 $0x100, s26  }
0xc2: {  	v43 =	vld [tilespmem:s26+$0xC8C0];
	v30 =	vadd.f32 v30, v33;
	v33 =	vmul.f32 v39, v6;
	v39 =	vperm.xlane v29, v3  }
0xc3: {  	v44 =	vld [tilespmem:s26+$0xC8D0];
	v31 =	vadd.f32 v35, v31;
	v35 =	vmul.f32 v41, v4  }
0xc4: {  	v45 =	vld [tilespmem:s26+$0xC880];
	v28 =	vadd.f32 v33, v28;
	v33 =	vmul.f32 v37, v7;
	v29 =	vadd.f32 v29, v39  }
0xc5: {  	v46 =	vld [tilespmem:s26+$0xC890];
	v34 =	vadd.f32 v35, v34;
	v32 =	vmul.f32 v32, v8  }
0xc6: {  	v47 =	vld [tilespmem:s26+$0x64C0];
	v30 =	vadd.f32 v33, v30;
	v33 =	vmul.f32 v36, v9;
	[tilespmem:v38+s13+$0x0] =	vst.idx.msk $0x1, v29  }
0xc7: {  	v48 =	vld [tilespmem:s26+$0x64D0];
	v29 =	vadd.f32 v32, v31  }
0xc8: {  	v36 =	vld [tilespmem:s26+$0x6480];
	v28 =	vadd.f32 v33, v28;
	v30 =	vadd.f32 v30, v34  }
0xc9: {  	v35 =	vld [tilespmem:s26+$0x6490]  }
0xca: {  	v37 =	vld [tilespmem:s26+$0x80];
	v28 =	vadd.f32 v28, v29  }
0xcb: {  	v40 =	vld [tilespmem:s26+$0x90]  }
0xcc: {  	v38 =	vld [tilespmem:s26+$0xA0];
	v28 =	vadd.f32 v28, v30  }
.Ltmp0:
0xcd: {  	v39 =	vld [tilespmem:s26+$0xB0];
	(pc) =	sbr.rel @p2 .LBB2_3-.Ltmp0, $4  }
0xce: {  	v41 =	vld [tilespmem:s26+$0xC0];
	v33 =	vperm.xlane v28, v0  }
0xcf: {  	v29 =	vmul.f32 v44, v7;
	v30 =	vmul.f32 v43, v4;
	v42 =	vld [tilespmem:s26+$0xD0]  }
0xd0: {  	v31 =	vmul.f32 v45, v10;
	v32 =	vmul.f32 v46, v11;
	v43 =	vld [tilespmem:s26+$0xE0];
	v28 =	vadd.f32 v28, v33  }
0xd1: {  	s16 =	sadd.s32 $0x2, s16;
	v34 =	vmul.f32 v47, v15;
	v33 =	vmul.f32 v48, v14;
	v44 =	vld [tilespmem:s26+$0xF0]  }
0xd2: {  	v45 =	vld [tilespmem:s26+$0x64A0]  }
0xd3: {  	v46 =	vld [tilespmem:s26+$0x64B0]  }
0xd4: {  	v47 =	vld [tilespmem:s26+$0x64E0]  }
0xd5: {  	v48 =	vld [tilespmem:s26+$0x64F0]  }
0xd6: {  	v49 =	vld [tilespmem:s26+$0xC8A0]  }
0xd7: {  	v50 =	vld [tilespmem:s26+$0xC8B0]  }
0xd8: {  	v51 =	vld [tilespmem:s26+$0xC8E0]  }
0xd9: {  	v52 =	vld [tilespmem:s26+$0xC8F0]  }
0xda: {  	v53 =	vld [tilespmem:s26+$0x10]  }
0xdb: {  	v36 =	vmul.f32 v36, v20;
	v54 =	vld [tilespmem:s26+$0x20]  }
0xdc: {  	v37 =	vmul.f32 v37, v18;
	v55 =	vld [tilespmem:s26+$0x30];
	v40 =	vmul.f32 v40, v27  }
0xdd: {  	v56 =	vld [tilespmem:s26+$0x40];
	v38 =	vmul.f32 v38, v25;
	v41 =	vmul.f32 v41, v22  }
0xde: {  	v39 =	vmul.f32 v39, v26;
	v62 =	vld [tilespmem:s26+$0x6430];
	v42 =	vmul.f32 v42, v23  }
0xdf: {  	v35 =	vmul.f32 v35, v19;
	v43 =	vmul.f32 v43, v24;
	v37 =	vadd.f32 v41, v37;
	v41 =	vld [tilespmem:s26+$0x50]  }
0xe0: {  	v44 =	vmul.f32 v44, v21;
	v40 =	vadd.f32 v42, v40;
	v42 =	vld [tilespmem:s26+$0x60];
	v45 =	vmul.f32 v45, v16  }
0xe1: {  	v38 =	vadd.f32 v43, v38;
	v43 =	vld [tilespmem:s26+$0x70];
	v63 =	vmul.f32 v46, v17;
	v57 =	vmul.f32 v47, v12  }
0xe2: {  	v36 =	vadd.f32 v36, v37;
	v37 =	vld [tilespmem:s26+$0x0];
	v58 =	vmul.f32 v48, v13;
	v60 =	vmul.f32 v49, v5  }
0xe3: {  	v61 =	vmul.f32 v50, v6;
	v27 =	vmul.f32 v53, v27;
	v50 =	vld [tilespmem:s26+$0x6450]  }
0xe4: {  	v53 =	vmul.f32 v51, v8;
	v39 =	vadd.f32 v44, v39;
	v38 =	vadd.f32 v45, v38;
	v45 =	vld [tilespmem:s26+$0x6400]  }
0xe5: {  	v25 =	vmul.f32 v54, v25;
	v26 =	vmul.f32 v55, v26;
	v34 =	vadd.f32 v34, v36;
	v36 =	vld [tilespmem:s26+$0x6410]  }
0xe6: {  	v22 =	vmul.f32 v56, v22;
	v35 =	vadd.f32 v35, v40;
	v39 =	vadd.f32 v63, v39;
	v63 =	vld [tilespmem:s26+$0x6440]  }
0xe7: {  	v17 =	vmul.f32 v62, v17;
	v59 =	vadd.f32 v57, v38;
	v38 =	vld [tilespmem:s26+$0x6420];
	v31 =	vadd.f32 v31, v34  }
0xe8: {  	v33 =	vadd.f32 v33, v35;
	v23 =	vmul.f32 v41, v23;
	v39 =	vadd.f32 v58, v39;
	v58 =	vld [tilespmem:s26+$0x6470]  }
0xe9: {  	v57 =	vmul.f32 v52, v9;
	v24 =	vmul.f32 v42, v24;
	v30 =	vadd.f32 v30, v31;
	v31 =	vld [tilespmem:s26+$0x6460]  }
0xea: {  	v32 =	vadd.f32 v32, v33;
	v18 =	vmul.f32 v37, v18;
	v48 =	vadd.f32 v60, v59;
	v59 =	vld [tilespmem:s26+$0xC800]  }
0xeb: {  	v23 =	vadd.f32 v23, v27;
	v21 =	vmul.f32 v43, v21;
	v60 =	vld [tilespmem:s26+$0xC810];
	v24 =	vadd.f32 v24, v25  }
0xec: {  	v14 =	vmul.f32 v50, v14;
	v25 =	vld [tilespmem:s26+$0xC820];
	v49 =	vadd.f32 v61, v39;
	v29 =	vadd.f32 v29, v32  }
0xed: {  	v20 =	vmul.f32 v45, v20;
	v18 =	vadd.f32 v22, v18;
	v19 =	vmul.f32 v36, v19;
	v22 =	vld [tilespmem:s26+$0xC830]  }
0xee: {  	v21 =	vadd.f32 v21, v26;
	v26 =	vld [tilespmem:s26+$0xC840];
	v34 =	vadd.f32 v53, v48;
	v15 =	vmul.f32 v63, v15  }
0xef: {  	v35 =	vadd.f32 v57, v49;
	v16 =	vmul.f32 v38, v16;
	v18 =	vadd.f32 v20, v18;
	v20 =	vld [tilespmem:s26+$0xC850]  }
0xf0: {  	v19 =	vadd.f32 v19, v23;
	v17 =	vadd.f32 v17, v21;
	v21 =	vld [tilespmem:s26+$0xC860];
	v13 =	vmul.f32 v58, v13  }
0xf1: {  	v16 =	vadd.f32 v16, v24;
	v15 =	vadd.f32 v15, v18;
	v12 =	vmul.f32 v31, v12;
	v18 =	vld [tilespmem:s26+$0xC870]  }
0xf2: {  	v14 =	vadd.f32 v14, v19;
	v10 =	vmul.f32 v59, v10;
	v11 =	vmul.f32 v60, v11  }
0xf3: {  	v5 =	vmul.f32 v25, v5;
	v13 =	vadd.f32 v13, v17;
	v6 =	vmul.f32 v22, v6  }
0xf4: {  	v4 =	vmul.f32 v26, v4;
	v12 =	vadd.f32 v12, v16;
	v10 =	vadd.f32 v10, v15  }
0xf5: {  	v11 =	vadd.f32 v11, v14;
	v7 =	vmul.f32 v20, v7;
	v6 =	vadd.f32 v6, v13  }
0xf6: {  	v8 =	vmul.f32 v21, v8;
	v5 =	vadd.f32 v5, v12;
	v9 =	vmul.f32 v18, v9  }
0xf7: {  	v4 =	vadd.f32 v4, v10;
	v7 =	vadd.f32 v7, v11  }
0xf8: {  	v5 =	vadd.f32 v8, v5;
	v6 =	vadd.f32 v9, v6  }
0xf9: {  	v8 =	vadd.f32 v29, v30;
	v9 =	vadd.f32 v35, v34  }
0xfa: {  	v4 =	vadd.f32 v7, v4;
	v5 =	vadd.f32 v6, v5  }
0xfb: {  	v6 =	vadd.f32 v9, v8  }
0xfc: {  	v4 =	vadd.f32 v5, v4  }
0xfd: {  	v5 =	vperm.xlane v6, v0  }
0xfe: {  	v7 =	vperm.xlane v4, v0  }
0xff: {  	v8 =	vperm.xlane v28, v1;
	v5 =	vadd.f32 v6, v5  }
0x100: {  	v4 =	vadd.f32 v4, v7  }
0x101: {  	v6 =	vadd.f32 v28, v8;
	v7 =	vperm.xlane v5, v1  }
0x102: {  	v8 =	vperm.xlane v4, v1  }
0x103: {  	v9 =	vperm.xlane v6, v2;
	v5 =	vadd.f32 v5, v7  }
0x104: {  	v7 =	vmov s20;
	v4 =	vadd.f32 v4, v8  }
0x105: {  	v6 =	vadd.f32 v6, v9;
	v7 =	vand.u32 $0xFFFFFFFE, v7;
	v8 =	vperm.xlane v5, v2  }
0x106: {  	v9 =	vmov s18;
	v7 =	vbroadcast v7, $0x0;
	v10 =	vperm.xlane v4, v2  }
0x107: {  	s16 =	sadd.s32 $0x1, s18;
	v11 =	vperm.xlane v6, v3;
	v5 =	vadd.f32 v5, v8;
	v8 =	vand.u32 $0xFFFFFFFE, v9  }
0x108: {  	v9 =	vmov s16;
	v8 =	vbroadcast v8, $0x0;
	v4 =	vadd.f32 v4, v10  }
0x109: {  	v10 =	vperm.xlane v5, v3  }
0x10a: {  	v6 =	vadd.f32 v6, v11;
	v11 =	vperm.xlane v4, v3  }
0x10b: {  	v5 =	vadd.f32 v5, v10  }
0x10c: {  	[tilespmem:v7+s13+$0x0] =	vst.idx.msk $0x1, v6;
	v4 =	vadd.f32 v4, v11  }
0x10d: {  	[tilespmem:v9+s13+$0x0] =	vst.idx.msk $0x1, v5  }
0x10e: {  	[tilespmem:v8+s13+$0x0] =	vst.idx.msk $0x1, v4  }
0x10f: {  	_ =	swait.ge [sflag:s15], $0x300  }
0x110: {  	[sflag:s15] =	ssyncset.done $0x0  }
0x111: {  	[sflag:s15] =	ssyncadd.s32 $0xFFFFFD00  }
0x112: {  	_ =	swait.ge [sflag:s15], $0x180  }
0x113: {  	[sflag:s15] =	ssyncset.done $0x0  }
0x114: {  	s20 =	simm.s32 $0x13500;
	[sflag:s15] =	ssyncadd.s32 $0xFFFFFE80  }
0x115: {  	[tilespmem:s20], [sflag:$0x1] =	stream.indirect.gather [hbm4b:s1+s14], $0x80, s19, s14, $0xb8;
	[tilespmem:$0x19B00] =	vst v63  }
0x116: {  	s21 =	sshll.u32 s24, $0x5;
	s17 =	simm.s32 $0x380;
	s26 =	simm.s32 $0x16700  }
0x117: {  	[tilespmem:s26], [sflag:$0x1] =	stream.indirect.gather [hbm4b:s1+s14], $0x80, s17, s14, $0xb8;
	[tilespmem:$0x19B00] =	vst v63  }
0x118: {  	s18 =	sand.u32 $0x60, s21;
	s17 =	sshll.u32 s29, $0x5  }
0x119: {  	s20 =	sadd.s32 s9, s18;
	s26 =	sand.u32 $0x7F00, s17  }
0x11a: {  	s16 =	sadd.s32 s26, s20  }
0x11b: {  	[hbm4b:s16+s22] =	stream.strided.scatter [tilespmem:s13], [sflag:$0x4], $0x100, s12, s22, $0x38;
	[tilespmem:$0x19B00] =	vst v63  }
0x11c: {  	_ = 	snop  }
0x11d: {  	[tilespmem:s25], [sflag:$0x1] =	stream.indirect.gather [hbm4b:s3+s14], $0x80, s12, s14, $0xb8;
	[tilespmem:$0x19B00] =	vst v63  }
0x11e: {  	s21 =	simm.s32 $0x480  }
0x11f: {  	[tilespmem:s28], [sflag:$0x1] =	stream.indirect.gather [hbm4b:s3+s14], $0x80, s21, s14, $0xb8;
	[tilespmem:$0x19B00] =	vst v63  }
0x120: {  	s17 =	simm.s32 $0x500  }
0x121: {  	[tilespmem:s30], [sflag:$0x1] =	stream.indirect.gather [hbm4b:s4+s14], $0x80, s17, s14, $0xb8;
	[tilespmem:$0x19B00] =	vst v63  }
0x122: {  	_ = 	snop  }
0x123: {  	[tilespmem:s0], [sflag:$0x1] =	stream.indirect.gather [hbm4b:s4+s14], $0x80, s10, s14, $0xb8;
	[tilespmem:$0x19B00] =	vst v63  }
0x124: {  	_ =	swait.ge [sflag:s2], $0x3200  }
0x125: {  	[sflag:s2] =	ssyncset.done $0x0  }
0x126: {  	[sflag:s2] =	ssyncadd.s32 $0xFFFFCE00  }
0x127: {  	_ =	swait.ge [sflag:s2], $0x3200  }
0x128: {  	[sflag:s2] =	ssyncset.done $0x0  }
0x129: {  	[sflag:s2] =	ssyncadd.s32 $0xFFFFCE00  }
0x12a: {  	_ =	swait.ge [sflag:s2], $0x3200  }
0x12b: {  	[sflag:s2] =	ssyncset.done $0x0  }
0x12c: {  	[sflag:s2] =	ssyncadd.s32 $0xFFFFCE00  }
0x12d: {  	_ =	swait.ge [sflag:s2], $0x3200  }
0x12e: {  	[sflag:s2] =	ssyncset.done $0x0  }
0x12f: {  	[sflag:s2] =	ssyncadd.s32 $0xFFFFCE00  }
0x130: {  	_ =	swait.ge [sflag:s2], $0x3200  }
0x131: {  	[sflag:s2] =	ssyncset.done $0x0  }
0x132: {  	[sflag:s2] =	ssyncadd.s32 $0xFFFFCE00  }
0x133: {  	_ =	swait.ge [sflag:s2], $0x3200  }
0x134: {  	[sflag:s2] =	ssyncset.done $0x0  }
0x135: {  	[sflag:s2] =	ssyncadd.s32 $0xFFFFCE00  }
0x136: {  	v27 =	vld [tilespmem:$0x780]  }
0x137: {  	v25 =	vld [tilespmem:$0x790]  }
0x138: {  	v26 =	vld [tilespmem:$0x7A0]  }
0x139: {  	v21 =	vld [tilespmem:$0x7B0]  }
0x13a: {  	v23 =	vld [tilespmem:$0x7C0]  }
0x13b: {  	v24 =	vld [tilespmem:$0x7D0]  }
0x13c: {  	v22 =	vld [tilespmem:$0x7E0]  }
0x13d: {  	v20 =	vld [tilespmem:$0x7F0]  }
0x13e: {  	v18 =	vld [tilespmem:$0x800]  }
0x13f: {  	v19 =	vld [tilespmem:$0x810]  }
0x140: {  	v16 =	vld [tilespmem:$0x820]  }
0x141: {  	v17 =	vld [tilespmem:$0x830]  }
0x142: {  	v15 =	vld [tilespmem:$0x840]  }
0x143: {  	v14 =	vld [tilespmem:$0x850]  }
0x144: {  	v12 =	vld [tilespmem:$0x860]  }
0x145: {  	v13 =	vld [tilespmem:$0x870]  }
0x146: {  	v10 =	vld [tilespmem:$0x880]  }
0x147: {  	v11 =	vld [tilespmem:$0x890]  }
0x148: {  	v9 =	vld [tilespmem:$0x8A0]  }
0x149: {  	s16 =	sadd.s32 @!p0 $0x3, s29;
	v5 =	vld [tilespmem:$0x8B0]  }
0x14a: {  	s17 =	smul.u32 @!p0 $0x60, s16;
	v4 =	vld [tilespmem:$0x8C0]  }
0x14b: {  	v6 =	vld [tilespmem:$0x8D0]  }
0x14c: {  	s20 =	simm.s32 @!p0 $0x0;
	s29 =	simm.s32 @!p0 $0x300;
	s17 =	sadd.s32 @!p0 s8, s17;
	v7 =	vld [tilespmem:$0x8E0]  }
0x14d: {  	v8 =	vld [tilespmem:$0x8F0];
	[tilespmem:s29], [sflag:$0x3] =	stream.linear.gather @!p0 [hbm4b:s17+s20], $0x300, $0x38  }
0x14e: {  	s17 =	sshrl.u32 @!p0 s16, $0x3  }
0x14f: {  	s16 =	sshll.u32 @!p0 s16, $0x7;
	s17 =	smul.u32 @!p0 $0xC00, s17  }
0x150: {  	s16 =	sand.u32 @!p0 $0x380, s16  }
0x151: {  	s16 =	sor.u32 @!p0 s16, s17  }
0x152: {  	s20 =	simm.s32 @!p0 $0x400;
	s16 =	sshrl.u32 @!p0 s16, $0x3  }
0x153: {  	s29 =	simm.s32 @!p0 $0x780;
	s17 =	simm.s32 @!p0 $0x80;
	s16 =	sadd.s32 @!p0 s7, s16  }
0x154: {  	[tilespmem:s29], [sflag:$0x3] =	stream.strided.gather @!p0 [hbm4b:s16+s17], $0x180, s20, s17, $0x38;
	[tilespmem:$0x19B00] =	vst v63  }
0x155: {  	_ =	swait.ge @p1 [sflag:s23], $0x100  }
0x156: {  	[sflag:s23] =	ssyncset.done @p1 $0x0  }
0x157: {  	s20 =	simm.s32 $0x0;
	[sflag:s23] =	ssyncadd.s32 @p1 $0xFFFFFF00  }
0x158: {  	v28 =	vld [tilespmem:s20+$0xD1C0]  }
0x159: {  	v29 =	vld [tilespmem:s20+$0xD1D0]  }
0x15a: {  	v30 =	vld [tilespmem:s20+$0xD180]  }
0x15b: {  	v31 =	vld [tilespmem:s20+$0xD190]  }
0x15c: {  	v32 =	vld [tilespmem:s20+$0x6DC0]  }
0x15d: {  	v33 =	vld [tilespmem:s20+$0x6DD0]  }
0x15e: {  	v34 =	vld [tilespmem:s20+$0x6D80]  }
0x15f: {  	v35 =	vld [tilespmem:s20+$0x6D90]  }
0x160: {  	v61 =	vld [tilespmem:s20+$0x13580]  }
0x161: {  	v62 =	vld [tilespmem:s20+$0x13590]  }
0x162: {  	v63 =	vld [tilespmem:s20+$0x135A0]  }
0x163: {  	v52 =	vld [tilespmem:s20+$0x135B0]  }
0x164: {  	v53 =	vld [tilespmem:s20+$0x135C0]  }
0x165: {  	v54 =	vld [tilespmem:s20+$0x135D0]  }
0x166: {  	v55 =	vld [tilespmem:s20+$0x135E0]  }
0x167: {  	v56 =	vld [tilespmem:s20+$0x135F0]  }
0x168: {  	v57 =	vld [tilespmem:s20+$0x6DA0]  }
0x169: {  	v58 =	vld [tilespmem:s20+$0x6DB0]  }
0x16a: {  	v59 =	vld [tilespmem:s20+$0x6DE0]  }
0x16b: {  	v60 =	vld [tilespmem:s20+$0x6DF0]  }
0x16c: {  	v49 =	vld [tilespmem:s20+$0xD1F0];
	v36 =	vmul.f32 v61, v27;
	v40 =	vmul.f32 v53, v23  }
0x16d: {  	v50 =	vld [tilespmem:s20+$0x13500];
	v37 =	vmul.f32 v62, v25;
	v41 =	vmul.f32 v54, v24  }
0x16e: {  	v51 =	vld [tilespmem:s20+$0x13510];
	v38 =	vmul.f32 v63, v26;
	v42 =	vmul.f32 v55, v22  }
0x16f: {  	v48 =	vld [tilespmem:s20+$0x6D20];
	v39 =	vmul.f32 v52, v21;
	v43 =	vmul.f32 v56, v20  }
0x170: {  	v62 =	vld [tilespmem:s20+$0xD1B0];
	v28 =	vmul.f32 v28, v4;
	v34 =	vmul.f32 v34, v18  }
0x171: {  	v63 =	vld [tilespmem:s20+$0xD1E0];
	v29 =	vmul.f32 v29, v6;
	v35 =	vmul.f32 v35, v19  }
0x172: {  	v30 =	vmul.f32 v30, v10;
	v44 =	vmul.f32 v57, v16;
	v52 =	vld [tilespmem:s20+$0x13520]  }
0x173: {  	v31 =	vmul.f32 v31, v11;
	v45 =	vmul.f32 v58, v17;
	v53 =	vld [tilespmem:s20+$0x13530]  }
0x174: {  	v32 =	vmul.f32 v32, v15;
	v33 =	vmul.f32 v33, v14;
	v55 =	vld [tilespmem:s20+$0x13540]  }
0x175: {  	v46 =	vmul.f32 v59, v12;
	v58 =	vld [tilespmem:s20+$0x13560];
	v36 =	vadd.f32 v40, v36;
	v37 =	vadd.f32 v41, v37  }
0x176: {  	v61 =	vld [tilespmem:s20+$0xD1A0];
	v54 =	vmul.f32 v60, v13;
	v38 =	vadd.f32 v42, v38;
	v39 =	vadd.f32 v43, v39  }
0x177: {  	v57 =	vld [tilespmem:s20+$0x13550];
	v34 =	vadd.f32 v34, v36;
	v35 =	vadd.f32 v35, v37;
	v36 =	vmul.f32 v51, v25  }
0x178: {  	v60 =	vld [tilespmem:s20+$0x13570];
	v38 =	vadd.f32 v44, v38;
	v40 =	vmul.f32 v62, v5;
	v59 =	vmul.f32 v63, v7  }
0x179: {  	v39 =	vadd.f32 v45, v39;
	v51 =	vld [tilespmem:s20+$0x6D50];
	v37 =	vmul.f32 v52, v26;
	v52 =	vmul.f32 v53, v21  }
0x17a: {  	v63 =	vld [tilespmem:s20+$0x6D00];
	v53 =	vmul.f32 v55, v23;
	v55 =	vmul.f32 v58, v22;
	v32 =	vadd.f32 v32, v34  }
0x17b: {  	v62 =	vmul.f32 v49, v8;
	v49 =	vld [tilespmem:s20+$0x6D30];
	v33 =	vadd.f32 v33, v35;
	v38 =	vadd.f32 v46, v38  }
0x17c: {  	v56 =	vmul.f32 v61, v9;
	v58 =	vld [tilespmem:s20+$0xD110];
	v39 =	vadd.f32 v54, v39;
	v37 =	vadd.f32 v55, v37  }
0x17d: {  	v50 =	vmul.f32 v50, v27;
	v54 =	vld [tilespmem:s20+$0x6D70];
	v30 =	vadd.f32 v30, v32;
	v31 =	vadd.f32 v31, v33  }
0x17e: {  	v35 =	vmul.f32 v57, v24;
	v57 =	vld [tilespmem:s20+$0xD100];
	v34 =	vadd.f32 v56, v38;
	v61 =	vadd.f32 v40, v39  }
0x17f: {  	v33 =	vmul.f32 v60, v20;
	v60 =	vld [tilespmem:s20+$0xD130];
	v28 =	vadd.f32 v28, v30;
	v29 =	vadd.f32 v29, v31  }
0x180: {  	v30 =	vld [tilespmem:s20+$0x6D10];
	v31 =	vadd.f32 v59, v34;
	v46 =	vadd.f32 v62, v61  }
0x181: {  	v32 =	vadd.f32 v53, v50;
	v35 =	vadd.f32 v35, v36;
	v59 =	vld [tilespmem:s20+$0xD120]  }
0x182: {  	v47 =	vmul.f32 v51, v14;
	v28 =	vadd.f32 v29, v28;
	v29 =	vadd.f32 v46, v31;
	v31 =	vld [tilespmem:s20+$0x6D40]  }
0x183: {  	v40 =	vmul.f32 v63, v18;
	v33 =	vadd.f32 v33, v52;
	v34 =	vmul.f32 v48, v16;
	v48 =	vld [tilespmem:s20+$0xD160]  }
0x184: {  	v38 =	vmul.f32 v49, v17;
	v36 =	vmul.f32 v58, v11;
	v28 =	vadd.f32 v29, v28;
	v29 =	vld [tilespmem:s20+$0x6D60]  }
0x185: {  	v63 =	vld [tilespmem:s20+$0xD150];
	v49 =	vmul.f32 v54, v13;
	v51 =	vmul.f32 v57, v10;
	v32 =	vadd.f32 v40, v32  }
0x186: {  	v34 =	vadd.f32 v34, v37;
	v54 =	vmul.f32 v60, v5;
	v30 =	vmul.f32 v30, v19  }
0x187: {  	v62 =	vld [tilespmem:s20+$0xD140];
	v33 =	vadd.f32 v38, v33;
	v56 =	vperm.xlane v28, v0;
	v31 =	vmul.f32 v31, v15  }
0x188: {  	s31 =	simm.s32 $0x100;
	v50 =	vld [tilespmem:s20+$0xD170];
	v52 =	vmul.f32 v59, v9;
	v58 =	vmul.f32 v48, v7;
	v30 =	vadd.f32 v30, v35  }
0x189: {  	v43 =	vld [tilespmem:s31+$0xD1C0];
	v28 =	vadd.f32 v28, v56;
	v31 =	vadd.f32 v31, v32;
	v29 =	vmul.f32 v29, v12  }
0x18a: {  	v41 =	vld [tilespmem:s31+$0x135C0];
	v35 =	vmul.f32 v63, v6;
	v30 =	vadd.f32 v47, v30;
	v32 =	vadd.f32 v49, v33  }
0x18b: {  	v42 =	vld [tilespmem:s31+$0x135D0];
	v61 =	vperm.xlane v28, v1;
	v29 =	vadd.f32 v29, v34;
	v31 =	vadd.f32 v51, v31  }
0x18c: {  	v55 =	vld [tilespmem:s31+$0xD180];
	v56 =	vmul.f32 v62, v4;
	v30 =	vadd.f32 v36, v30;
	v32 =	vadd.f32 v54, v32  }
0x18d: {  	v53 =	vld [tilespmem:s31+$0xD1D0];
	v59 =	vmul.f32 v50, v8;
	v28 =	vadd.f32 v28, v61;
	v29 =	vadd.f32 v52, v29  }
0x18e: {  	v39 =	vld [tilespmem:s31+$0x135A0];
	v31 =	vadd.f32 v56, v31;
	v30 =	vadd.f32 v35, v30  }
0x18f: {  	v57 =	vld [tilespmem:s31+$0xD190];
	v32 =	vadd.f32 v59, v32;
	v60 =	vperm.xlane v28, v2;
	v29 =	vadd.f32 v58, v29  }
0x190: {  	v37 =	vld [tilespmem:s31+$0x13580];
	v30 =	vadd.f32 v30, v31  }
0x191: {  	s21 =	simm.s32 $0x1;
	v33 =	vld [tilespmem:s31+$0x6DC0];
	v28 =	vadd.f32 v28, v60;
	v29 =	vadd.f32 v32, v29  }
0x192: {  	v34 =	vld [tilespmem:s31+$0x6DD0];
	v61 =	vmov s21  }
0x193: {  	v36 =	vld [tilespmem:s31+$0x6D80];
	v31 =	vperm.xlane v28, v3;
	v62 =	vadd.f32 v29, v30  }
0x194: {  	v35 =	vld [tilespmem:s31+$0x6D90]  }
0x195: {  	v40 =	vld [tilespmem:s31+$0x13590];
	v32 =	vmul.f32 v57, v11;
	v28 =	vadd.f32 v28, v31;
	v63 =	vperm.xlane v62, v0  }
0x196: {  	s29 =	sor.u32 $0x10, s18;
	s18 =	simm.s32 $0x2;
	v38 =	vld [tilespmem:s31+$0x135B0];
	v30 =	vmul.f32 v43, v4;
	v29 =	vmul.f32 v53, v6  }
0x197: {  	s16 =	simm.s32 $0x400;
	s17 =	simm.s32 $0x4;
	s20 =	simm.s32 $0x0;
	v43 =	vld [tilespmem:s31+$0x135E0];
	v31 =	vmul.f32 v55, v10;
	[tilespmem:v61+s11+$0x0] =	vst.idx.msk $0x1, v28;
	v28 =	vadd.f32 v62, v63  }
.LBB2_5:
0x198: {  	p1 =	slt.u32 s17, $0xC6;
	v44 =	vld [tilespmem:s31+$0x135F0];
	v33 =	vmul.f32 v33, v15;
	v34 =	vmul.f32 v34, v14  }
0x199: {  	v36 =	vmul.f32 v36, v18;
	v35 =	vmul.f32 v35, v19;
	v45 =	vld [tilespmem:s31+$0x6DA0]  }
0x19a: {  	v37 =	vmul.f32 v37, v27;
	v40 =	vmul.f32 v40, v25;
	v46 =	vld [tilespmem:s31+$0x6DB0]  }
0x19b: {  	v39 =	vmul.f32 v39, v26;
	v38 =	vmul.f32 v38, v21;
	v47 =	vld [tilespmem:s31+$0x6DE0]  }
0x19c: {  	v41 =	vmul.f32 v41, v23;
	v42 =	vmul.f32 v42, v24;
	v48 =	vld [tilespmem:s31+$0x6DF0]  }
0x19d: {  	v43 =	vmul.f32 v43, v22;
	v44 =	vmul.f32 v44, v20;
	v49 =	vld [tilespmem:s31+$0xD1A0]  }
0x19e: {  	v37 =	vadd.f32 v41, v37;
	v40 =	vadd.f32 v42, v40;
	v41 =	vmul.f32 v45, v16;
	v42 =	vld [tilespmem:s31+$0xD1B0]  }
0x19f: {  	v39 =	vadd.f32 v43, v39;
	v38 =	vadd.f32 v44, v38;
	v43 =	vmul.f32 v46, v17;
	v44 =	vld [tilespmem:s31+$0xD1E0]  }
0x1a0: {  	v36 =	vadd.f32 v36, v37;
	v35 =	vadd.f32 v35, v40;
	v37 =	vmul.f32 v47, v12;
	v40 =	vld [tilespmem:s31+$0xD1F0]  }
0x1a1: {  	v39 =	vadd.f32 v41, v39;
	v45 =	vld [tilespmem:s31+$0x13500];
	v38 =	vadd.f32 v43, v38;
	v41 =	vmul.f32 v48, v13  }
0x1a2: {  	v33 =	vadd.f32 v33, v36;
	v34 =	vadd.f32 v34, v35;
	v43 =	vld [tilespmem:s31+$0x13510];
	v35 =	vmul.f32 v49, v9  }
0x1a3: {  	v37 =	vadd.f32 v37, v39;
	v36 =	vld [tilespmem:s31+$0x13520];
	v38 =	vadd.f32 v41, v38;
	v39 =	vmul.f32 v42, v5  }
0x1a4: {  	v31 =	vadd.f32 v31, v33;
	v32 =	vadd.f32 v32, v34;
	v41 =	vld [tilespmem:s31+$0x13530];
	v33 =	vmul.f32 v44, v7  }
0x1a5: {  	v35 =	vadd.f32 v35, v37;
	v34 =	vld [tilespmem:s31+$0x13540];
	v37 =	vadd.f32 v39, v38;
	v38 =	vmul.f32 v40, v8  }
0x1a6: {  	v30 =	vadd.f32 v30, v31;
	v29 =	vadd.f32 v29, v32;
	v39 =	vmul.f32 v45, v27;
	v40 =	vld [tilespmem:s31+$0x13550]  }
0x1a7: {  	v33 =	vadd.f32 v33, v35;
	v31 =	vmul.f32 v43, v25;
	v32 =	vld [tilespmem:s31+$0x13560];
	v35 =	vadd.f32 v38, v37  }
0x1a8: {  	v42 =	vmov s20;
	s20 =	smov.u32 s18;
	s18 =	smov.u32 s17;
	v38 =	vperm.xlane v28, v1;
	v36 =	vmul.f32 v36, v26;
	v37 =	vld [tilespmem:s31+$0x13570]  }
0x1a9: {  	v29 =	vadd.f32 v29, v30;
	v41 =	vmul.f32 v41, v21;
	v43 =	vld [tilespmem:s31+$0x6D00];
	v30 =	vadd.f32 v35, v33  }
0x1aa: {  	v28 =	vadd.f32 v28, v38;
	v35 =	vand.u32 $0xFFFFFFFE, v42;
	v33 =	vmul.f32 v34, v23;
	v34 =	vld [tilespmem:s31+$0x6D10]  }
0x1ab: {  	v38 =	vmul.f32 v40, v24;
	v40 =	vld [tilespmem:s31+$0x6D20];
	v29 =	vadd.f32 v30, v29;
	v30 =	vbroadcast v35, $0x0  }
0x1ac: {  	v33 =	vadd.f32 v33, v39;
	v32 =	vmul.f32 v32, v22;
	v35 =	vld [tilespmem:s31+$0x6D30];
	v39 =	vperm.xlane v28, v2  }
0x1ad: {  	v31 =	vadd.f32 v38, v31;
	v37 =	vmul.f32 v37, v20;
	v38 =	vld [tilespmem:s31+$0x6D40];
	v42 =	vperm.xlane v29, v0  }
0x1ae: {  	v32 =	vadd.f32 v32, v36;
	v36 =	vmul.f32 v43, v18;
	v43 =	vld [tilespmem:s31+$0x6D50];
	v28 =	vadd.f32 v28, v39  }
0x1af: {  	v37 =	vadd.f32 v37, v41;
	v34 =	vmul.f32 v34, v19;
	v39 =	vld [tilespmem:s31+$0x6D60];
	v29 =	vadd.f32 v29, v42  }
0x1b0: {  	v33 =	vadd.f32 v36, v33;
	v36 =	vmul.f32 v40, v16;
	v40 =	vld [tilespmem:s31+$0x6D70];
	v41 =	vperm.xlane v28, v3  }
0x1b1: {  	v31 =	vadd.f32 v34, v31;
	v34 =	vmul.f32 v35, v17;
	v35 =	vld [tilespmem:s31+$0xD100];
	v42 =	vperm.xlane v29, v1  }
0x1b2: {  	v32 =	vadd.f32 v36, v32;
	v36 =	vmul.f32 v38, v15;
	v38 =	vld [tilespmem:s31+$0xD110];
	v28 =	vadd.f32 v28, v41  }
0x1b3: {  	v34 =	vadd.f32 v34, v37;
	v37 =	vmul.f32 v43, v14;
	v41 =	vld [tilespmem:s31+$0xD120];
	v29 =	vadd.f32 v29, v42  }
0x1b4: {  	v33 =	vadd.f32 v36, v33;
	v36 =	vmul.f32 v39, v12;
	v39 =	vld [tilespmem:s31+$0xD130];
	[tilespmem:v30+s11+$0x0] =	vst.idx.msk $0x1, v28  }
0x1b5: {  	v28 =	vadd.f32 v37, v31;
	v30 =	vmul.f32 v40, v13;
	v31 =	vld [tilespmem:s31+$0xD140];
	v37 =	vperm.xlane v29, v2  }
0x1b6: {  	v32 =	vadd.f32 v36, v32;
	v35 =	vmul.f32 v35, v10;
	v36 =	vld [tilespmem:s31+$0xD150]  }
0x1b7: {  	s16 =	sadd.s32 $0x400, s16;
	s21 =	sadd.s32 $0x1, s20;
	v30 =	vadd.f32 v30, v34;
	v34 =	vmul.f32 v38, v11;
	v38 =	vld [tilespmem:s31+$0xD160];
	v29 =	vadd.f32 v29, v37  }
0x1b8: {  	v40 =	vmov s21;
	v33 =	vadd.f32 v35, v33;
	v35 =	vmul.f32 v41, v9;
	v37 =	vld [tilespmem:s31+$0xD170];
	s31 =	sshra.s32 s16, $0x2  }
0x1b9: {  	v43 =	vld [tilespmem:s31+$0xD1C0];
	v28 =	vadd.f32 v34, v28;
	v34 =	vmul.f32 v39, v5;
	v39 =	vperm.xlane v29, v3  }
0x1ba: {  	v44 =	vld [tilespmem:s31+$0xD1D0];
	v32 =	vadd.f32 v35, v32;
	v31 =	vmul.f32 v31, v4  }
0x1bb: {  	v45 =	vld [tilespmem:s31+$0xD180];
	v30 =	vadd.f32 v34, v30;
	v34 =	vmul.f32 v36, v6;
	v29 =	vadd.f32 v29, v39  }
0x1bc: {  	v46 =	vld [tilespmem:s31+$0xD190];
	v31 =	vadd.f32 v31, v33;
	v35 =	vmul.f32 v38, v7  }
0x1bd: {  	v33 =	vld [tilespmem:s31+$0x6DC0];
	v28 =	vadd.f32 v34, v28;
	v37 =	vmul.f32 v37, v8;
	[tilespmem:v40+s11+$0x0] =	vst.idx.msk $0x1, v29  }
0x1be: {  	v34 =	vld [tilespmem:s31+$0x6DD0];
	v29 =	vadd.f32 v35, v32  }
0x1bf: {  	v36 =	vld [tilespmem:s31+$0x6D80];
	v30 =	vadd.f32 v37, v30;
	v28 =	vadd.f32 v28, v31  }
0x1c0: {  	v35 =	vld [tilespmem:s31+$0x6D90]  }
0x1c1: {  	v37 =	vld [tilespmem:s31+$0x13580];
	v29 =	vadd.f32 v30, v29  }
0x1c2: {  	v40 =	vld [tilespmem:s31+$0x13590]  }
.Ltmp1:
0x1c3: {  	v39 =	vld [tilespmem:s31+$0x135A0];
	v28 =	vadd.f32 v29, v28;
	(pc) =	sbr.rel @p1 .LBB2_5-.Ltmp1, $4  }
0x1c4: {  	v38 =	vld [tilespmem:s31+$0x135B0]  }
0x1c5: {  	v41 =	vld [tilespmem:s31+$0x135C0];
	v47 =	vperm.xlane v28, v0  }
0x1c6: {  	v30 =	vmul.f32 v43, v4;
	v29 =	vmul.f32 v44, v6;
	v42 =	vld [tilespmem:s31+$0x135D0]  }
0x1c7: {  	s17 =	sadd.s32 $0x2, s17;
	v31 =	vmul.f32 v45, v10;
	v32 =	vmul.f32 v46, v11;
	v43 =	vld [tilespmem:s31+$0x135E0];
	v28 =	vadd.f32 v28, v47  }
0x1c8: {  	v44 =	vld [tilespmem:s31+$0x135F0]  }
0x1c9: {  	v45 =	vld [tilespmem:s31+$0x6DA0]  }
0x1ca: {  	v46 =	vld [tilespmem:s31+$0x6DB0]  }
0x1cb: {  	v47 =	vld [tilespmem:s31+$0x6DE0]  }
0x1cc: {  	v48 =	vld [tilespmem:s31+$0x6DF0]  }
0x1cd: {  	v49 =	vld [tilespmem:s31+$0xD1A0]  }
0x1ce: {  	v50 =	vld [tilespmem:s31+$0xD1B0]  }
0x1cf: {  	v51 =	vld [tilespmem:s31+$0xD1E0]  }
0x1d0: {  	v52 =	vld [tilespmem:s31+$0xD1F0]  }
0x1d1: {  	v36 =	vmul.f32 v36, v18;
	v53 =	vld [tilespmem:s31+$0x13500]  }
0x1d2: {  	v37 =	vmul.f32 v37, v27;
	v40 =	vmul.f32 v40, v25;
	v54 =	vld [tilespmem:s31+$0x13510]  }
0x1d3: {  	v39 =	vmul.f32 v39, v26;
	v55 =	vld [tilespmem:s31+$0x13520];
	v41 =	vmul.f32 v41, v23  }
0x1d4: {  	v56 =	vld [tilespmem:s31+$0x13530];
	v35 =	vmul.f32 v35, v19;
	v42 =	vmul.f32 v42, v24  }
0x1d5: {  	v33 =	vmul.f32 v33, v15;
	v34 =	vmul.f32 v34, v14;
	v37 =	vadd.f32 v41, v37;
	v41 =	vld [tilespmem:s31+$0x13540]  }
0x1d6: {  	v38 =	vmul.f32 v38, v21;
	v43 =	vmul.f32 v43, v22;
	v40 =	vadd.f32 v42, v40;
	v42 =	vld [tilespmem:s31+$0x13550]  }
0x1d7: {  	v44 =	vmul.f32 v44, v20;
	v61 =	vmul.f32 v46, v17;
	v46 =	vld [tilespmem:s31+$0x6D30]  }
0x1d8: {  	v60 =	vmul.f32 v45, v16;
	v57 =	vmul.f32 v49, v9;
	v49 =	vld [tilespmem:s31+$0x6D70]  }
0x1d9: {  	v62 =	vmul.f32 v47, v12;
	v39 =	vadd.f32 v43, v39;
	v36 =	vadd.f32 v36, v37;
	v37 =	vld [tilespmem:s31+$0x13560]  }
0x1da: {  	v63 =	vmul.f32 v48, v13;
	v43 =	vld [tilespmem:s31+$0x6D00];
	v38 =	vadd.f32 v44, v38;
	v35 =	vadd.f32 v35, v40  }
0x1db: {  	v58 =	vmul.f32 v50, v5;
	v40 =	vld [tilespmem:s31+$0x13570];
	v39 =	vadd.f32 v60, v39;
	v33 =	vadd.f32 v33, v36  }
0x1dc: {  	v47 =	vmul.f32 v54, v25;
	v36 =	vld [tilespmem:s31+$0x6D10];
	v38 =	vadd.f32 v61, v38;
	v34 =	vadd.f32 v34, v35  }
0x1dd: {  	v61 =	vmul.f32 v53, v27;
	v50 =	vmul.f32 v41, v23;
	v48 =	vadd.f32 v62, v39;
	v39 =	vld [tilespmem:s31+$0x6D20]  }
0x1de: {  	v53 =	vmul.f32 v56, v21;
	v31 =	vadd.f32 v31, v33;
	v33 =	vld [tilespmem:s31+$0x6D40];
	v62 =	vmul.f32 v51, v7  }
0x1df: {  	v51 =	vmul.f32 v42, v24;
	v42 =	vld [tilespmem:s31+$0xD170];
	v38 =	vadd.f32 v63, v38;
	v32 =	vadd.f32 v32, v34  }
0x1e0: {  	v63 =	vmul.f32 v52, v8;
	v52 =	vld [tilespmem:s31+$0xD100];
	v54 =	vmul.f32 v37, v22;
	v23 =	vadd.f32 v50, v61  }
0x1e1: {  	v59 =	vadd.f32 v57, v48;
	v30 =	vadd.f32 v30, v31;
	v31 =	vld [tilespmem:s31+$0x6D60];
	v48 =	vmul.f32 v55, v26  }
0x1e2: {  	v55 =	vld [tilespmem:s31+$0xD110];
	v24 =	vadd.f32 v51, v47;
	v56 =	vmul.f32 v40, v20;
	v40 =	vmul.f32 v49, v13  }
0x1e3: {  	v60 =	vadd.f32 v58, v38;
	v38 =	vld [tilespmem:s31+$0x6D50];
	v29 =	vadd.f32 v29, v32;
	v58 =	vmul.f32 v43, v18  }
0x1e4: {  	v57 =	vld [tilespmem:s31+$0xD120];
	v34 =	vadd.f32 v62, v59;
	v22 =	vadd.f32 v54, v48;
	v59 =	vmul.f32 v36, v19  }
0x1e5: {  	v20 =	vadd.f32 v56, v53;
	v62 =	vmul.f32 v46, v17;
	v35 =	vadd.f32 v63, v60;
	v60 =	vld [tilespmem:s31+$0xD130]  }
0x1e6: {  	v61 =	vmul.f32 v39, v16;
	v63 =	vld [tilespmem:s31+$0xD140];
	v18 =	vadd.f32 v58, v23;
	v27 =	vmul.f32 v33, v15  }
0x1e7: {  	v33 =	vld [tilespmem:s31+$0xD150];
	v45 =	vmul.f32 v42, v8;
	v19 =	vadd.f32 v59, v24;
	v17 =	vadd.f32 v62, v20  }
0x1e8: {  	v10 =	vmul.f32 v52, v10;
	v16 =	vadd.f32 v61, v22;
	v36 =	vmul.f32 v38, v14;
	v38 =	vld [tilespmem:s31+$0xD160]  }
0x1e9: {  	v15 =	vadd.f32 v27, v18;
	v39 =	vmul.f32 v31, v12;
	v11 =	vmul.f32 v55, v11  }
0x1ea: {  	v43 =	vmul.f32 v57, v9;
	v13 =	vadd.f32 v40, v17;
	v14 =	vadd.f32 v36, v19  }
0x1eb: {  	v12 =	vadd.f32 v39, v16;
	v10 =	vadd.f32 v10, v15;
	v5 =	vmul.f32 v60, v5  }
0x1ec: {  	v4 =	vmul.f32 v63, v4;
	v6 =	vmul.f32 v33, v6;
	v11 =	vadd.f32 v11, v14  }
0x1ed: {  	v9 =	vadd.f32 v43, v12;
	v5 =	vadd.f32 v5, v13;
	v44 =	vmul.f32 v38, v7  }
0x1ee: {  	v4 =	vadd.f32 v4, v10;
	v6 =	vadd.f32 v6, v11  }
0x1ef: {  	v5 =	vadd.f32 v45, v5;
	v7 =	vadd.f32 v44, v9  }
0x1f0: {  	v46 =	vadd.f32 v29, v30;
	v47 =	vadd.f32 v35, v34  }
0x1f1: {  	v4 =	vadd.f32 v6, v4;
	v5 =	vadd.f32 v5, v7  }
0x1f2: {  	v48 =	vadd.f32 v47, v46  }
0x1f3: {  	v4 =	vadd.f32 v5, v4  }
0x1f4: {  	v5 =	vperm.xlane v48, v0  }
0x1f5: {  	v49 =	vperm.xlane v4, v0  }
0x1f6: {  	v5 =	vadd.f32 v48, v5  }
0x1f7: {  	v50 =	vperm.xlane v28, v1;
	v4 =	vadd.f32 v4, v49  }
0x1f8: {  	v52 =	vperm.xlane v5, v1  }
0x1f9: {  	v51 =	vadd.f32 v28, v50;
	v53 =	vperm.xlane v4, v1  }
0x1fa: {  	v5 =	vadd.f32 v5, v52  }
0x1fb: {  	v54 =	vperm.xlane v51, v2;
	v55 =	vmov s20;
	v4 =	vadd.f32 v4, v53  }
0x1fc: {  	v57 =	vmov s18;
	v7 =	vand.u32 $0xFFFFFFFE, v55;
	v56 =	vperm.xlane v5, v2  }
0x1fd: {  	s16 =	sadd.s32 $0x1, s18;
	v6 =	vadd.f32 v51, v54;
	v7 =	vbroadcast v7, $0x0;
	v58 =	vperm.xlane v4, v2  }
0x1fe: {  	v61 =	vmov s16;
	v60 =	vand.u32 $0xFFFFFFFE, v57;
	v5 =	vadd.f32 v5, v56  }
0x1ff: {  	v8 =	vbroadcast v60, $0x0;
	v59 =	vperm.xlane v6, v3;
	v4 =	vadd.f32 v4, v58  }
0x200: {  	v62 =	vperm.xlane v5, v3  }
0x201: {  	v6 =	vadd.f32 v6, v59;
	v63 =	vperm.xlane v4, v3  }
0x202: {  	v5 =	vadd.f32 v5, v62  }
0x203: {  	[tilespmem:v7+s11+$0x0] =	vst.idx.msk $0x1, v6;
	v4 =	vadd.f32 v4, v63  }
0x204: {  	[tilespmem:v61+s11+$0x0] =	vst.idx.msk $0x1, v5  }
0x205: {  	s16 =	simm.s32 @!p0 $0x2;
	[tilespmem:v8+s11+$0x0] =	vst.idx.msk $0x1, v4  }
0x206: {  	_ =	swait.ge @!p0 [sflag:s16], $0x300  }
0x207: {  	[sflag:s16] =	ssyncset.done @!p0 $0x0  }
0x208: {  	[sflag:s16] =	ssyncadd.s32 @!p0 $0xFFFFFD00  }
0x209: {  	_ =	swait.ge @!p0 [sflag:s16], $0x180  }
0x20a: {  	s17 =	simm.s32 @!p0 $0x0;
	[sflag:s16] =	ssyncset.done @!p0 $0x0  }
0x20b: {  	s18 =	simm.s32 @!p0 $0x900;
	[sflag:s16] =	ssyncadd.s32 @!p0 $0xFFFFFE80;
	s16 =	simm.s32 @!p0 $0x64  }
0x20c: {  	[tilespmem:s18], [sflag:$0x1] =	stream.indirect.gather @!p0 [hbm4b:s1+s16], $0x80, s17, s16, $0xb8;
	[tilespmem:$0x19B00] =	vst v63  }
0x20d: {  	s24 =	sadd.s32 $0x1, s24;
	s17 =	simm.s32 @!p0 $0x80;
	s18 =	simm.s32 @!p0 $0x3B00  }
0x20e: {  	[tilespmem:s18], [sflag:$0x1] =	stream.indirect.gather @!p0 [hbm4b:s1+s16], $0x80, s17, s16, $0xb8;
	[tilespmem:$0x19B00] =	vst v63  }
0x20f: {  	p0 =	sne.s32 s24, $0x10  }
.Ltmp2:
0x210: {  	_ = 	snop;
	(pc) =	sbr.rel @p0 .LBB2_2-.Ltmp2, $4  }
0x211: {  	_ = 	snop  }
0x212: {  	s31 =	sadd.s32 s9, s29  }
0x213: {  	s16 =	sadd.s32 s26, s31  }
0x214: {  	[hbm4b:s16+s22] =	stream.strided.scatter [tilespmem:s11], [sflag:$0x5], $0x100, s12, s22, $0x38;
	[tilespmem:$0x19B00] =	vst v63  }
0x215: {  	_ =	swait.ge [sflag:s5], $0x100  }
0x216: {  	[sflag:s5] =	ssyncset.done $0x0  }
0x217: {  	[sflag:s5] =	ssyncadd.s32 $0xFFFFFF00  }
0x218: {  	_ =	swait.ge [sflag:s23], $0x100  }
0x219: {  	s17 =	rddreg [dreg:$0xa]  }
0x21a: {  	s16 =	rddreg [dreg:$0x9];
	s17 =	sadd.s32 $0x1, s17  }
0x21b: {  	p0 =	sne.s32 s17, s16  }
.Ltmp3:
0x21c: {  	_ = 	snop;
	(pc) =	sbr.rel @p0 .LBB2_1-.Ltmp3, $3  }
0x21d: {  	_ =	sdelay $0x1  }
0x21e: {  	[sflag:s23] =	ssyncset.done $0x0  }
0x21f: {  	[sflag:s23] =	ssyncadd.s32 $0xFFFFFF00  }
0x220: {  	_ =	sfence.sel $0x180000  }
0x221: {  	[bflag:$0x0] =	sbarrier.arrive $0xFFFF  }
0x222: {  	_ =	strace $0x90000047  }
0x223: {  	s0 =	stileid.u32;
	[bflag:$0x2] =	sbarrier.arrive $0xFFFF  }
0x224: {  	p0 =	sne.s32 s0, $0x0;
	s0 =	rddreg [dreg:$0x4]  }
0x225: {  	s0 =	sadd.s32 @!p0 $0x100000, s0  }
0x226: {  	[sflag:s0] =	ssyncadd.tile.s32 @!p0 $0x1;
	_ =	shalt  }
.Lfunc_end2:
_tile_overlayer_lowered:
.L_overlay_start_2:
0x227: {  	(tag) =	ssettag $0x2  }
0x228: {  	s0 =	rddreg [dreg:$0x0];
	s2 =	stileid.u32  }
0x229: {  	s1 =	rddreg [dreg:$0x1];
	p0 =	sne.s32 s2, $0x0  }
0x22a: {  	s3 =	rddreg [dreg:$0x2];
	[bflag:$0x3] =	sbarrier.arrive $0xFFFF;
	s2 =	simm.s32 @!p0 $0x1C06  }
0x22b: {  	[timem:s3], [sflag:s2] =	dma.local @!p0 [hbm:s0], s1  }
0x22c: {  	s0 =	simm.s32 @!p0 $0x6  }
0x22d: {  	_ =	swait.ge @!p0 [sflag:s0], s1  }
0x22e: {  	s1 =	ssub.s32 @!p0 $0x0, s1;
	[sflag:s0] =	ssyncset.done @!p0 $0x0  }
0x22f: {  	[sflag:s0] =	ssyncadd.s32 @!p0 s1  }
0x230: {  	[bflag:$0x3] =	sbarrier.arrive $0xFFFF  }
0x231: {  	_ =	shalt  }

</sc_bundles>
